<compile_context>
chip_gen: v7x
topology: tpu7x:2x2x1
jax: 0.10.2.dev20260603
libtpu: 0.0.44.dev20260713+nightly
codegen_flags: <defaults>
</compile_context>

<pallas_src>
import functools

import jax
import jax.numpy as jnp
from jax import lax
from jax.experimental import pallas as pl
from jax.experimental.pallas import tpu as pltpu
from jax.experimental.pallas import tpu_sc as plsc

_VOCAB = 1000
_DIM = 128
_NPOS = 200
_NNEG = 200
_L = 16
_NC = 2
_NS = 16
_NW = _NC * _NS
_NPW = (_NPOS + _NNEG) // _L
_WSPLIT = _NPOS // _L
_EPS = 1e-8


def _vsqrt(z):
    zc = jnp.maximum(z, jnp.float32(1e-30))
    bits = lax.bitcast_convert_type(zc, jnp.int32)
    y = lax.bitcast_convert_type(
        jnp.int32(0x5F3759DF) - lax.shift_right_logical(bits, 1), jnp.float32)
    half = jnp.float32(0.5) * zc
    for _ in range(3):
        y = y * (jnp.float32(1.5) - half * y * y)
    return zc * y


def _body(pos_hbm, neg_hbm, twidx_hbm, ctx_hbm, tgt_hbm, out_hbm,
          idx_v, tw_v, rows_v, tgt_row, out_buf, sem):
    wid = lax.axis_index("s") * _NC + lax.axis_index("c")

    @pl.when(wid < _WSPLIT)
    def _():
        pltpu.sync_copy(pos_hbm.at[pl.ds(wid * _L, _L)], idx_v)

    @pl.when(wid == _WSPLIT)
    def _():
        pltpu.sync_copy(pos_hbm.at[pl.ds(_WSPLIT * _L, 8)],
                        idx_v.at[pl.ds(0, 8)])
        pltpu.sync_copy(neg_hbm.at[pl.ds(0, 8)], idx_v.at[pl.ds(8, 8)])

    @pl.when(jnp.logical_and(wid > _WSPLIT, wid < _NPW))
    def _():
        pltpu.sync_copy(neg_hbm.at[pl.ds(wid * _L - _NPOS, _L)], idx_v)

    @pl.when(wid >= _NPW)
    def _():
        idx_v[...] = jnp.zeros((_L,), jnp.int32)

    pltpu.sync_copy(twidx_hbm, tw_v)

    cp_rows = pltpu.async_copy(ctx_hbm.at[idx_v], rows_v, sem)
    cp_tgt = pltpu.async_copy(tgt_hbm.at[tw_v], tgt_row, sem)
    cp_rows.wait()
    cp_tgt.wait()

    n_chunks = _DIM // _L
    t_chunks = [tgt_row[0, pl.ds(c * _L, _L)] for c in range(n_chunks)]

    tacc = t_chunks[0] * t_chunks[0]
    for c in range(1, n_chunks):
        tacc = tacc + t_chunks[c] * t_chunks[c]
    tsq = jnp.sum(tacc)

    lane = lax.iota(jnp.int32, _L)
    dots = jnp.zeros((_L,), jnp.float32)
    ssq = jnp.zeros((_L,), jnp.float32)
    for e in range(_L):
        x0 = rows_v[e, pl.ds(0, _L)]
        dacc = x0 * t_chunks[0]
        sacc = x0 * x0
        for c in range(1, n_chunks):
            x = rows_v[e, pl.ds(c * _L, _L)]
            dacc = dacc + x * t_chunks[c]
            sacc = sacc + x * x
        sel = lane == e
        dots = jnp.where(sel, jnp.sum(dacc), dots)
        ssq = jnp.where(sel, jnp.sum(sacc), ssq)

    ex_id = wid * _L + lane
    sign = jnp.where(ex_id < _NPOS, jnp.float32(-1.0),
                     jnp.where(ex_id < _NPOS + _NNEG, jnp.float32(1.0),
                               jnp.float32(0.0)))

    na = jnp.maximum(_vsqrt(jnp.full((_L,), tsq, jnp.float32)),
                     jnp.float32(_EPS))
    nb = jnp.maximum(_vsqrt(ssq), jnp.float32(_EPS))
    cos = dots / (na * nb)
    sig = jnp.float32(1.0) / (jnp.float32(1.0) + jnp.exp(-cos))
    part = jnp.sum(sign * sig)

    out_buf[...] = jnp.full((_L,), part, jnp.float32)
    pltpu.sync_copy(out_buf, out_hbm.at[wid])


_sc_call = functools.partial(
    pl.kernel,
    out_type=jax.ShapeDtypeStruct((_NW, _L), jnp.float32),
    mesh=plsc.VectorSubcoreMesh(core_axis_name="c", subcore_axis_name="s"),
    compiler_params=pltpu.CompilerParams(needs_layout_passes=False),
    scratch_types=[
        pltpu.VMEM((_L,), jnp.int32),
        pltpu.VMEM((1,), jnp.int32),
        pltpu.VMEM((_L, _DIM), jnp.float32),
        pltpu.VMEM((1, _DIM), jnp.float32),
        pltpu.VMEM((_L,), jnp.float32),
        pltpu.SemaphoreType.DMA,
    ],
)(_body)


def kernel(t_w, pos_examples, neg_examples, target_table, context_table):
    twidx = jnp.reshape(t_w, (1,)).astype(jnp.int32)
    parts = _sc_call(pos_examples.astype(jnp.int32),
                     neg_examples.astype(jnp.int32),
                     twidx, context_table, target_table)
    return jnp.float32(_NPOS) + jnp.sum(parts[:, 0])

# --- scband reference (transcript-rebuilt; emitter-appended) ---
"""Pipeline reference for scband-skipgram-59459527246331 (READ-ONLY COPY).

The authoritative reference and input builder live on the scoring server;
editing this copy changes nothing except your own understanding.
"""

import jax, jax.numpy as jnp
import numpy as np

VOCAB_SIZE = 1000
EMBED_DIM = 128
N_POS = 200
N_NEG = 200


def setup_inputs(seed: int = 0) -> dict:
    key = jax.random.key(seed)
    k1, k2, k3, k4 = jax.random.split(key, 4)
    return {
        "t_w": 537,
        "pos_examples": jax.random.randint(k1, (N_POS,), 0, VOCAB_SIZE),
        "neg_examples": jax.random.randint(k2, (N_NEG,), 0, VOCAB_SIZE),
        "target_table": jax.random.normal(k3, (VOCAB_SIZE, EMBED_DIM), dtype=jnp.float32),
        "context_table": jax.random.normal(k4, (VOCAB_SIZE, EMBED_DIM), dtype=jnp.float32),
    }


def _cosine_similarity(a, b, eps=1e-8):
    # torch.nn.CosineSimilarity(dim=1) semantics with broadcasting [1,d] vs [L,d]
    dot = jnp.sum(a * b, axis=1)
    na = jnp.maximum(jnp.sqrt(jnp.sum(a * a, axis=1)), eps)
    nb = jnp.maximum(jnp.sqrt(jnp.sum(b * b, axis=1)), eps)
    return dot / (na * nb)


def reference(t_w, pos_examples, neg_examples, target_table, context_table):
    # target_E = self.target_embedding(torch.Tensor([t_w]).long()) -> [1, d]
    target_E = jnp.take(target_table, jnp.array([t_w]), axis=0)
    # pos_E = self.context_embedding(pos_examples) -> [L, d]
    pos_E = jnp.take(context_table, pos_examples, axis=0)
    pos_score = jax.nn.sigmoid(_cosine_similarity(target_E, pos_E))
    pos_loss = jnp.sum(1.0 - pos_score, axis=0)
    neg_E = jnp.take(context_table, neg_examples, axis=0)
    neg_score = jax.nn.sigmoid(_cosine_similarity(target_E, neg_E))
    neg_loss = jnp.sum(neg_score)
    return pos_loss + neg_loss

if __name__ == "__main__":
    import jax
    _d = setup_inputs()
    print(jax.jit(kernel)(*tuple(_d.values())))

</pallas_src>

<mosaic_0001>
#map = affine_map<(d0, d1) -> (0)>
#map1 = affine_map<(d0, d1) -> (0, 0)>
module attributes {stable_mosaic.version = 14 : i64} {
  func.func @_body(%arg0: i32, %arg1: i32, %arg2: memref<200xi32, #tpu.memory_space<hbm>>, %arg3: memref<200xi32, #tpu.memory_space<hbm>>, %arg4: memref<1xi32, #tpu.memory_space<hbm>>, %arg5: memref<1000x128xf32, #tpu.memory_space<hbm>>, %arg6: memref<1000x128xf32, #tpu.memory_space<hbm>>, %arg7: memref<32x16xf32, #tpu.memory_space<hbm>>, %arg8: memref<16xi32, #tpu.memory_space<vmem>>, %arg9: memref<1xi32, #tpu.memory_space<vmem>>, %arg10: memref<16x128xf32, #tpu.memory_space<vmem>>, %arg11: memref<1x128xf32, #tpu.memory_space<vmem>>, %arg12: memref<16xf32, #tpu.memory_space<vmem>>, %arg13: memref<!tpu.dma_semaphore, #tpu.memory_space<semaphore_mem>>) attributes {dimension_semantics = [#tpu.dimension_semantics<core_parallel>, #tpu.dimension_semantics<subcore_parallel>], iteration_bounds = array<i64: 2, 16>, scalar_prefetch = 0 : i64, scratch_operands = 6 : i64, tpu.core_type = #tpu.core_type<sc_vector_subcore>, window_params = [{transform_indices = #map}, {transform_indices = #map}, {transform_indices = #map}, {transform_indices = #map1}, {transform_indices = #map1}, {transform_indices = #map1}]} {
    %mul3A = arith.constant 2 : i32
    %mul3A_0 = arith.muli %arg1, %mul3A : i32
    %add3A = arith.addi %mul3A_0, %arg0 : i32
    %lt3A = arith.constant 12 : i32
    %lt3A_1 = arith.cmpi slt, %add3A, %lt3A : i32
    %convert_element_type3A = arith.extui %lt3A_1 : i1 to i32
    %cond3A = arith.constant 0 : i32
    %cond3A_2 = arith.cmpi ne, %convert_element_type3A, %cond3A : i32
    scf.if %cond3A_2 {
      %mul3A_1412 = arith.constant 16 : i32
      %mul3A_1413 = arith.muli %add3A, %mul3A_1412 : i32
      "tpu.region"() ({
        %run_scoped3A = tpu.sem_alloc : memref<!tpu.dma_semaphore, #tpu.memory_space<semaphore_mem>>
        %dma_start3A_1414 = tpu.memref_slice %arg2[%mul3A_1413] : memref<200xi32, #tpu.memory_space<hbm>> -> memref<16xi32, #tpu.memory_space<hbm>>
        %dma_start3A_1415 = tpu.memref_slice %arg2[%mul3A_1413] : memref<200xi32, #tpu.memory_space<hbm>> -> memref<16xi32, #tpu.memory_space<hbm>>
        tpu.enqueue_dma source(%dma_start3A_1415 : memref<16xi32, #tpu.memory_space<hbm>>) target(%arg8 : memref<16xi32, #tpu.memory_space<vmem>>) target_semaphore(%run_scoped3A : memref<!tpu.dma_semaphore, #tpu.memory_space<semaphore_mem>>)
        %dma_wait3A_1416 = tpu.memref_slice %arg2[%mul3A_1413] : memref<200xi32, #tpu.memory_space<hbm>> -> memref<16xi32, #tpu.memory_space<hbm>>
        %dma_wait3A_1417 = tpu.memref_slice %arg2[%mul3A_1413] : memref<200xi32, #tpu.memory_space<hbm>> -> memref<16xi32, #tpu.memory_space<hbm>>
        tpu.wait_dma2 semaphore(%run_scoped3A : memref<!tpu.dma_semaphore, #tpu.memory_space<semaphore_mem>>) src(%dma_wait3A_1417 : memref<16xi32, #tpu.memory_space<hbm>>) dst(%arg8 : memref<16xi32, #tpu.memory_space<vmem>>)
        tpu.yield
      }) : () -> ()
    } else {
    }
    %eq3A = arith.constant 12 : i32
    %eq3A_3 = arith.cmpi eq, %add3A, %eq3A : i32
    %convert_element_type3A_4 = arith.extui %eq3A_3 : i1 to i32
    %cond3A_5 = arith.constant 0 : i32
    %cond3A_6 = arith.cmpi ne, %convert_element_type3A_4, %cond3A_5 : i32
    scf.if %cond3A_6 {
      "tpu.region"() ({
        %run_scoped3A = tpu.sem_alloc : memref<!tpu.dma_semaphore, #tpu.memory_space<semaphore_mem>>
        %dma_start3A_1412 = arith.constant 0 : i32
        %dma_start3A_1413 = tpu.memref_slice %arg8[%dma_start3A_1412] : memref<16xi32, #tpu.memory_space<vmem>> -> memref<8xi32, #tpu.memory_space<vmem>>
        %dma_start3A_1414 = arith.constant 192 : i32
        %dma_start3A_1415 = tpu.memref_slice %arg2[%dma_start3A_1414] : memref<200xi32, #tpu.memory_space<hbm>> -> memref<8xi32, #tpu.memory_space<hbm>>
        %dma_start3A_1416 = arith.constant 0 : i32
        %dma_start3A_1417 = tpu.memref_slice %arg8[%dma_start3A_1416] : memref<16xi32, #tpu.memory_space<vmem>> -> memref<8xi32, #tpu.memory_space<vmem>>
        %dma_start3A_1418 = arith.constant 192 : i32
        %dma_start3A_1419 = tpu.memref_slice %arg2[%dma_start3A_1418] : memref<200xi32, #tpu.memory_space<hbm>> -> memref<8xi32, #tpu.memory_space<hbm>>
        tpu.enqueue_dma source(%dma_start3A_1419 : memref<8xi32, #tpu.memory_space<hbm>>) target(%dma_start3A_1417 : memref<8xi32, #tpu.memory_space<vmem>>) target_semaphore(%run_scoped3A : memref<!tpu.dma_semaphore, #tpu.memory_space<semaphore_mem>>)
        %dma_wait3A_1420 = arith.constant 0 : i32
        %dma_wait3A_1421 = tpu.memref_slice %arg8[%dma_wait3A_1420] : memref<16xi32, #tpu.memory_space<vmem>> -> memref<8xi32, #tpu.memory_space<vmem>>
        %dma_wait3A_1422 = arith.constant 192 : i32
        %dma_wait3A_1423 = tpu.memref_slice %arg2[%dma_wait3A_1422] : memref<200xi32, #tpu.memory_space<hbm>> -> memref<8xi32, #tpu.memory_space<hbm>>
        %dma_wait3A_1424 = arith.constant 0 : i32
        %dma_wait3A_1425 = tpu.memref_slice %arg8[%dma_wait3A_1424] : memref<16xi32, #tpu.memory_space<vmem>> -> memref<8xi32, #tpu.memory_space<vmem>>
        %dma_wait3A_1426 = arith.constant 192 : i32
        %dma_wait3A_1427 = tpu.memref_slice %arg2[%dma_wait3A_1426] : memref<200xi32, #tpu.memory_space<hbm>> -> memref<8xi32, #tpu.memory_space<hbm>>
        tpu.wait_dma2 semaphore(%run_scoped3A : memref<!tpu.dma_semaphore, #tpu.memory_space<semaphore_mem>>) src(%dma_wait3A_1427 : memref<8xi32, #tpu.memory_space<hbm>>) dst(%dma_wait3A_1425 : memref<8xi32, #tpu.memory_space<vmem>>)
        tpu.yield
      }) : () -> ()
      "tpu.region"() ({
        %run_scoped3A = tpu.sem_alloc : memref<!tpu.dma_semaphore, #tpu.memory_space<semaphore_mem>>
        %dma_start3A_1412 = arith.constant 8 : i32
        %dma_start3A_1413 = tpu.memref_slice %arg8[%dma_start3A_1412] : memref<16xi32, #tpu.memory_space<vmem>> -> memref<8xi32, #tpu.memory_space<vmem>>
        %dma_start3A_1414 = arith.constant 0 : i32
        %dma_start3A_1415 = tpu.memref_slice %arg3[%dma_start3A_1414] : memref<200xi32, #tpu.memory_space<hbm>> -> memref<8xi32, #tpu.memory_space<hbm>>
        %dma_start3A_1416 = arith.constant 8 : i32
        %dma_start3A_1417 = tpu.memref_slice %arg8[%dma_start3A_1416] : memref<16xi32, #tpu.memory_space<vmem>> -> memref<8xi32, #tpu.memory_space<vmem>>
        %dma_start3A_1418 = arith.constant 0 : i32
        %dma_start3A_1419 = tpu.memref_slice %arg3[%dma_start3A_1418] : memref<200xi32, #tpu.memory_space<hbm>> -> memref<8xi32, #tpu.memory_space<hbm>>
        tpu.enqueue_dma source(%dma_start3A_1419 : memref<8xi32, #tpu.memory_space<hbm>>) target(%dma_start3A_1417 : memref<8xi32, #tpu.memory_space<vmem>>) target_semaphore(%run_scoped3A : memref<!tpu.dma_semaphore, #tpu.memory_space<semaphore_mem>>)
        %dma_wait3A_1420 = arith.constant 8 : i32
        %dma_wait3A_1421 = tpu.memref_slice %arg8[%dma_wait3A_1420] : memref<16xi32, #tpu.memory_space<vmem>> -> memref<8xi32, #tpu.memory_space<vmem>>
        %dma_wait3A_1422 = arith.constant 0 : i32
        %dma_wait3A_1423 = tpu.memref_slice %arg3[%dma_wait3A_1422] : memref<200xi32, #tpu.memory_space<hbm>> -> memref<8xi32, #tpu.memory_space<hbm>>
        %dma_wait3A_1424 = arith.constant 8 : i32
        %dma_wait3A_1425 = tpu.memref_slice %arg8[%dma_wait3A_1424] : memref<16xi32, #tpu.memory_space<vmem>> -> memref<8xi32, #tpu.memory_space<vmem>>
        %dma_wait3A_1426 = arith.constant 0 : i32
        %dma_wait3A_1427 = tpu.memref_slice %arg3[%dma_wait3A_1426] : memref<200xi32, #tpu.memory_space<hbm>> -> memref<8xi32, #tpu.memory_space<hbm>>
        tpu.wait_dma2 semaphore(%run_scoped3A : memref<!tpu.dma_semaphore, #tpu.memory_space<semaphore_mem>>) src(%dma_wait3A_1427 : memref<8xi32, #tpu.memory_space<hbm>>) dst(%dma_wait3A_1425 : memref<8xi32, #tpu.memory_space<vmem>>)
        tpu.yield
      }) : () -> ()
    } else {
    }
    %gt3A = arith.constant 12 : i32
    %gt3A_7 = arith.cmpi sgt, %add3A, %gt3A : i32
    %lt3A_8 = arith.constant 25 : i32
    %lt3A_9 = arith.cmpi slt, %add3A, %lt3A_8 : i32
    %and3A = arith.andi %gt3A_7, %lt3A_9 : i1
    %convert_element_type3A_10 = arith.extui %and3A : i1 to i32
    %cond3A_11 = arith.constant 0 : i32
    %cond3A_12 = arith.cmpi ne, %convert_element_type3A_10, %cond3A_11 : i32
    scf.if %cond3A_12 {
      %mul3A_1412 = arith.constant 16 : i32
      %mul3A_1413 = arith.muli %add3A, %mul3A_1412 : i32
      %sub3A_1414 = arith.constant 200 : i32
      %sub3A_1415 = arith.subi %mul3A_1413, %sub3A_1414 : i32
      "tpu.region"() ({
        %run_scoped3A = tpu.sem_alloc : memref<!tpu.dma_semaphore, #tpu.memory_space<semaphore_mem>>
        %dma_start3A_1416 = tpu.memref_slice %arg3[%sub3A_1415] : memref<200xi32, #tpu.memory_space<hbm>> -> memref<16xi32, #tpu.memory_space<hbm>>
        %dma_start3A_1417 = tpu.memref_slice %arg3[%sub3A_1415] : memref<200xi32, #tpu.memory_space<hbm>> -> memref<16xi32, #tpu.memory_space<hbm>>
        tpu.enqueue_dma source(%dma_start3A_1417 : memref<16xi32, #tpu.memory_space<hbm>>) target(%arg8 : memref<16xi32, #tpu.memory_space<vmem>>) target_semaphore(%run_scoped3A : memref<!tpu.dma_semaphore, #tpu.memory_space<semaphore_mem>>)
        %dma_wait3A_1418 = tpu.memref_slice %arg3[%sub3A_1415] : memref<200xi32, #tpu.memory_space<hbm>> -> memref<16xi32, #tpu.memory_space<hbm>>
        %dma_wait3A_1419 = tpu.memref_slice %arg3[%sub3A_1415] : memref<200xi32, #tpu.memory_space<hbm>> -> memref<16xi32, #tpu.memory_space<hbm>>
        tpu.wait_dma2 semaphore(%run_scoped3A : memref<!tpu.dma_semaphore, #tpu.memory_space<semaphore_mem>>) src(%dma_wait3A_1419 : memref<16xi32, #tpu.memory_space<hbm>>) dst(%arg8 : memref<16xi32, #tpu.memory_space<vmem>>)
        tpu.yield
      }) : () -> ()
    } else {
    }
    %ge3A = arith.constant 25 : i32
    %ge3A_13 = arith.cmpi sge, %add3A, %ge3A : i32
    %convert_element_type3A_14 = arith.extui %ge3A_13 : i1 to i32
    %cond3A_15 = arith.constant 0 : i32
    %cond3A_16 = arith.cmpi ne, %convert_element_type3A_14, %cond3A_15 : i32
    scf.if %cond3A_16 {
      %broadcast_in_dim3A_1412 = arith.constant 0 : i32
      %broadcast_in_dim3A_1413 = vector.broadcast %broadcast_in_dim3A_1412 : i32 to vector<16xi32>
      %swap3A_1414 = arith.constant 0 : index
      %swap3A_1415 = tpu.vector_load %arg8[%swap3A_1414] {strides = array<i32>} : memref<16xi32, #tpu.memory_space<vmem>>, vector<16xi32>,
      tpu.vector_store %arg8[%swap3A_1414], %broadcast_in_dim3A_1413 {strides = array<i32>} : memref<16xi32, #tpu.memory_space<vmem>>, vector<16xi32>,
    } else {
    }
    "tpu.region"() ({
      %run_scoped3A = tpu.sem_alloc : memref<!tpu.dma_semaphore, #tpu.memory_space<semaphore_mem>>
      tpu.enqueue_dma source(%arg4 : memref<1xi32, #tpu.memory_space<hbm>>) target(%arg9 : memref<1xi32, #tpu.memory_space<vmem>>) target_semaphore(%run_scoped3A : memref<!tpu.dma_semaphore, #tpu.memory_space<semaphore_mem>>)
      tpu.wait_dma2 semaphore(%run_scoped3A : memref<!tpu.dma_semaphore, #tpu.memory_space<semaphore_mem>>) src(%arg4 : memref<1xi32, #tpu.memory_space<hbm>>) dst(%arg9 : memref<1xi32, #tpu.memory_space<vmem>>)
      tpu.yield
    }) : () -> ()
    %dma_start3A = arith.constant 0 : i32
    %dma_start3A_17 = arith.constant 0 : i32
    %dma_start3A_18 = tpu.memref_slice %arg5[%dma_start3A, %dma_start3A_17] : memref<1000x128xf32, #tpu.memory_space<hbm>> -> memref<1000x128xf32, #tpu.memory_space<hbm>>
    tpu.enqueue_indirect_dma source(%dma_start3A_18 : memref<1000x128xf32, #tpu.memory_space<hbm>>) target(%arg10 : memref<16x128xf32, #tpu.memory_space<vmem>>) offsets(%arg8 : memref<16xi32, #tpu.memory_space<vmem>>) semaphore(%arg13 : memref<!tpu.dma_semaphore, #tpu.memory_space<semaphore_mem>>)
    %dma_start3A_19 = arith.constant 0 : i32
    %dma_start3A_20 = arith.constant 0 : i32
    %dma_start3A_21 = tpu.memref_slice %arg6[%dma_start3A_19, %dma_start3A_20] : memref<1000x128xf32, #tpu.memory_space<hbm>> -> memref<1000x128xf32, #tpu.memory_space<hbm>>
    tpu.enqueue_indirect_dma source(%dma_start3A_21 : memref<1000x128xf32, #tpu.memory_space<hbm>>) target(%arg11 : memref<1x128xf32, #tpu.memory_space<vmem>>) offsets(%arg9 : memref<1xi32, #tpu.memory_space<vmem>>) semaphore(%arg13 : memref<!tpu.dma_semaphore, #tpu.memory_space<semaphore_mem>>)
    %dma_wait3A = arith.constant 0 : i32
    %dma_wait3A_22 = arith.constant 0 : i32
    %dma_wait3A_23 = tpu.memref_slice %arg5[%dma_wait3A, %dma_wait3A_22] : memref<1000x128xf32, #tpu.memory_space<hbm>> -> memref<1000x128xf32, #tpu.memory_space<hbm>>
    tpu.wait_indirect_dma semaphore(%arg13 : memref<!tpu.dma_semaphore, #tpu.memory_space<semaphore_mem>>) src(%dma_wait3A_23 : memref<1000x128xf32, #tpu.memory_space<hbm>>) dst(%arg10 : memref<16x128xf32, #tpu.memory_space<vmem>>)
    %dma_wait3A_24 = arith.constant 0 : i32
    %dma_wait3A_25 = arith.constant 0 : i32
    %dma_wait3A_26 = tpu.memref_slice %arg6[%dma_wait3A_24, %dma_wait3A_25] : memref<1000x128xf32, #tpu.memory_space<hbm>> -> memref<1000x128xf32, #tpu.memory_space<hbm>>
    tpu.wait_indirect_dma semaphore(%arg13 : memref<!tpu.dma_semaphore, #tpu.memory_space<semaphore_mem>>) src(%dma_wait3A_26 : memref<1000x128xf32, #tpu.memory_space<hbm>>) dst(%arg11 : memref<1x128xf32, #tpu.memory_space<vmem>>)
    %get3A = arith.constant 0 : i32
    %get3A_27 = arith.index_cast %get3A : i32 to index
    %get3A_28 = arith.constant 0 : index
    %get3A_29 = tpu.vector_load %arg11[%get3A_27, %get3A_28] {strides = array<i32>} : memref<1x128xf32, #tpu.memory_space<vmem>>, vector<16xf32>,
    %get3A_30 = arith.constant 0 : i32
    %get3A_31 = arith.index_cast %get3A_30 : i32 to index
    %get3A_32 = arith.constant 16 : index
    %get3A_33 = tpu.vector_load %arg11[%get3A_31, %get3A_32] {strides = array<i32>} : memref<1x128xf32, #tpu.memory_space<vmem>>, vector<16xf32>,
    %get3A_34 = arith.constant 0 : i32
    %get3A_35 = arith.index_cast %get3A_34 : i32 to index
    %get3A_36 = arith.constant 32 : index
    %get3A_37 = tpu.vector_load %arg11[%get3A_35, %get3A_36] {strides = array<i32>} : memref<1x128xf32, #tpu.memory_space<vmem>>, vector<16xf32>,
    %get3A_38 = arith.constant 0 : i32
    %get3A_39 = arith.index_cast %get3A_38 : i32 to index
    %get3A_40 = arith.constant 48 : index
    %get3A_41 = tpu.vector_load %arg11[%get3A_39, %get3A_40] {strides = array<i32>} : memref<1x128xf32, #tpu.memory_space<vmem>>, vector<16xf32>,
    %get3A_42 = arith.constant 0 : i32
    %get3A_43 = arith.index_cast %get3A_42 : i32 to index
    %get3A_44 = arith.constant 64 : index
    %get3A_45 = tpu.vector_load %arg11[%get3A_43, %get3A_44] {strides = array<i32>} : memref<1x128xf32, #tpu.memory_space<vmem>>, vector<16xf32>,
    %get3A_46 = arith.constant 0 : i32
    %get3A_47 = arith.index_cast %get3A_46 : i32 to index
    %get3A_48 = arith.constant 80 : index
    %get3A_49 = tpu.vector_load %arg11[%get3A_47, %get3A_48] {strides = array<i32>} : memref<1x128xf32, #tpu.memory_space<vmem>>, vector<16xf32>,
    %get3A_50 = arith.constant 0 : i32
    %get3A_51 = arith.index_cast %get3A_50 : i32 to index
    %get3A_52 = arith.constant 96 : index
    %get3A_53 = tpu.vector_load %arg11[%get3A_51, %get3A_52] {strides = array<i32>} : memref<1x128xf32, #tpu.memory_space<vmem>>, vector<16xf32>,
    %get3A_54 = arith.constant 0 : i32
    %get3A_55 = arith.index_cast %get3A_54 : i32 to index
    %get3A_56 = arith.constant 112 : index
    %get3A_57 = tpu.vector_load %arg11[%get3A_55, %get3A_56] {strides = array<i32>} : memref<1x128xf32, #tpu.memory_space<vmem>>, vector<16xf32>,
    %mul3A_58 = arith.mulf %get3A_29, %get3A_29 : vector<16xf32>
    %mul3A_59 = arith.mulf %get3A_33, %get3A_33 : vector<16xf32>
    %add3A_60 = arith.addf %mul3A_58, %mul3A_59 : vector<16xf32>
    %mul3A_61 = arith.mulf %get3A_37, %get3A_37 : vector<16xf32>
    %add3A_62 = arith.addf %add3A_60, %mul3A_61 : vector<16xf32>
    %mul3A_63 = arith.mulf %get3A_41, %get3A_41 : vector<16xf32>
    %add3A_64 = arith.addf %add3A_62, %mul3A_63 : vector<16xf32>
    %mul3A_65 = arith.mulf %get3A_45, %get3A_45 : vector<16xf32>
    %add3A_66 = arith.addf %add3A_64, %mul3A_65 : vector<16xf32>
    %mul3A_67 = arith.mulf %get3A_49, %get3A_49 : vector<16xf32>
    %add3A_68 = arith.addf %add3A_66, %mul3A_67 : vector<16xf32>
    %mul3A_69 = arith.mulf %get3A_53, %get3A_53 : vector<16xf32>
    %add3A_70 = arith.addf %add3A_68, %mul3A_69 : vector<16xf32>
    %mul3A_71 = arith.mulf %get3A_57, %get3A_57 : vector<16xf32>
    %add3A_72 = arith.addf %add3A_70, %mul3A_71 : vector<16xf32>
    %reduce_sum3A = arith.constant true
    %reduce_sum3A_73 = vector.broadcast %reduce_sum3A : i1 to vector<16xi1>
    %reduce_sum3A_74 = tpu.scan <sum>, %add3A_72 masked %reduce_sum3A_73 : vector<16xf32>, vector<16xi1> -> vector<16xf32>
    %reduce_sum3A_75 = vector.extract %reduce_sum3A_74[15] : f32 from vector<16xf32>
    %iota3A = tpu.iota {dimensions = array<i32: 0>} : vector<16xi32>
    %broadcast_in_dim3A = arith.constant 0.000000e+00 : f32
    %broadcast_in_dim3A_76 = vector.broadcast %broadcast_in_dim3A : f32 to vector<16xf32>
    %broadcast_in_dim3A_77 = arith.constant 0.000000e+00 : f32
    %broadcast_in_dim3A_78 = vector.broadcast %broadcast_in_dim3A_77 : f32 to vector<16xf32>
    %get3A_79 = arith.constant 0 : i32
    %get3A_80 = arith.index_cast %get3A_79 : i32 to index
    %get3A_81 = arith.constant 0 : index
    %get3A_82 = tpu.vector_load %arg10[%get3A_80, %get3A_81] {strides = array<i32>} : memref<16x128xf32, #tpu.memory_space<vmem>>, vector<16xf32>,
    %mul3A_83 = arith.mulf %get3A_82, %get3A_29 : vector<16xf32>
    %mul3A_84 = arith.mulf %get3A_82, %get3A_82 : vector<16xf32>
    %get3A_85 = arith.constant 0 : i32
    %get3A_86 = arith.index_cast %get3A_85 : i32 to index
    %get3A_87 = arith.constant 16 : index
    %get3A_88 = tpu.vector_load %arg10[%get3A_86, %get3A_87] {strides = array<i32>} : memref<16x128xf32, #tpu.memory_space<vmem>>, vector<16xf32>,
    %mul3A_89 = arith.mulf %get3A_88, %get3A_33 : vector<16xf32>
    %add3A_90 = arith.addf %mul3A_83, %mul3A_89 : vector<16xf32>
    %mul3A_91 = arith.mulf %get3A_88, %get3A_88 : vector<16xf32>
    %add3A_92 = arith.addf %mul3A_84, %mul3A_91 : vector<16xf32>
    %get3A_93 = arith.constant 0 : i32
    %get3A_94 = arith.index_cast %get3A_93 : i32 to index
    %get3A_95 = arith.constant 32 : index
    %get3A_96 = tpu.vector_load %arg10[%get3A_94, %get3A_95] {strides = array<i32>} : memref<16x128xf32, #tpu.memory_space<vmem>>, vector<16xf32>,
    %mul3A_97 = arith.mulf %get3A_96, %get3A_37 : vector<16xf32>
    %add3A_98 = arith.addf %add3A_90, %mul3A_97 : vector<16xf32>
    %mul3A_99 = arith.mulf %get3A_96, %get3A_96 : vector<16xf32>
    %add3A_100 = arith.addf %add3A_92, %mul3A_99 : vector<16xf32>
    %get3A_101 = arith.constant 0 : i32
    %get3A_102 = arith.index_cast %get3A_101 : i32 to index
    %get3A_103 = arith.constant 48 : index
    %get3A_104 = tpu.vector_load %arg10[%get3A_102, %get3A_103] {strides = array<i32>} : memref<16x128xf32, #tpu.memory_space<vmem>>, vector<16xf32>,
    %mul3A_105 = arith.mulf %get3A_104, %get3A_41 : vector<16xf32>
    %add3A_106 = arith.addf %add3A_98, %mul3A_105 : vector<16xf32>
    %mul3A_107 = arith.mulf %get3A_104, %get3A_104 : vector<16xf32>
    %add3A_108 = arith.addf %add3A_100, %mul3A_107 : vector<16xf32>
    %get3A_109 = arith.constant 0 : i32
    %get3A_110 = arith.index_cast %get3A_109 : i32 to index
    %get3A_111 = arith.constant 64 : index
    %get3A_112 = tpu.vector_load %arg10[%get3A_110, %get3A_111] {strides = array<i32>} : memref<16x128xf32, #tpu.memory_space<vmem>>, vector<16xf32>,
    %mul3A_113 = arith.mulf %get3A_112, %get3A_45 : vector<16xf32>
    %add3A_114 = arith.addf %add3A_106, %mul3A_113 : vector<16xf32>
    %mul3A_115 = arith.mulf %get3A_112, %get3A_112 : vector<16xf32>
    %add3A_116 = arith.addf %add3A_108, %mul3A_115 : vector<16xf32>
    %get3A_117 = arith.constant 0 : i32
    %get3A_118 = arith.index_cast %get3A_117 : i32 to index
    %get3A_119 = arith.constant 80 : index
    %get3A_120 = tpu.vector_load %arg10[%get3A_118, %get3A_119] {strides = array<i32>} : memref<16x128xf32, #tpu.memory_space<vmem>>, vector<16xf32>,
    %mul3A_121 = arith.mulf %get3A_120, %get3A_49 : vector<16xf32>
    %add3A_122 = arith.addf %add3A_114, %mul3A_121 : vector<16xf32>
    %mul3A_123 = arith.mulf %get3A_120, %get3A_120 : vector<16xf32>
    %add3A_124 = arith.addf %add3A_116, %mul3A_123 : vector<16xf32>
    %get3A_125 = arith.constant 0 : i32
    %get3A_126 = arith.index_cast %get3A_125 : i32 to index
    %get3A_127 = arith.constant 96 : index
    %get3A_128 = tpu.vector_load %arg10[%get3A_126, %get3A_127] {strides = array<i32>} : memref<16x128xf32, #tpu.memory_space<vmem>>, vector<16xf32>,
    %mul3A_129 = arith.mulf %get3A_128, %get3A_53 : vector<16xf32>
    %add3A_130 = arith.addf %add3A_122, %mul3A_129 : vector<16xf32>
    %mul3A_131 = arith.mulf %get3A_128, %get3A_128 : vector<16xf32>
    %add3A_132 = arith.addf %add3A_124, %mul3A_131 : vector<16xf32>
    %get3A_133 = arith.constant 0 : i32
    %get3A_134 = arith.index_cast %get3A_133 : i32 to index
    %get3A_135 = arith.constant 112 : index
    %get3A_136 = tpu.vector_load %arg10[%get3A_134, %get3A_135] {strides = array<i32>} : memref<16x128xf32, #tpu.memory_space<vmem>>, vector<16xf32>,
    %mul3A_137 = arith.mulf %get3A_136, %get3A_57 : vector<16xf32>
    %add3A_138 = arith.addf %add3A_130, %mul3A_137 : vector<16xf32>
    %mul3A_139 = arith.mulf %get3A_136, %get3A_136 : vector<16xf32>
    %add3A_140 = arith.addf %add3A_132, %mul3A_139 : vector<16xf32>
    %eq3A_141 = arith.constant 0 : i32
    %eq3A_142 = vector.broadcast %eq3A_141 : i32 to vector<16xi32>
    %eq3A_143 = arith.cmpi eq, %iota3A, %eq3A_142 : vector<16xi32>
    %reduce_sum3A_144 = arith.constant true
    %reduce_sum3A_145 = vector.broadcast %reduce_sum3A_144 : i1 to vector<16xi1>
    %reduce_sum3A_146 = tpu.scan <sum>, %add3A_138 masked %reduce_sum3A_145 : vector<16xf32>, vector<16xi1> -> vector<16xf32>
    %reduce_sum3A_147 = vector.extract %reduce_sum3A_146[15] : f32 from vector<16xf32>
    %broadcast_in_dim3A_148 = vector.broadcast %reduce_sum3A_147 : f32 to vector<16xf32>
    %select_n3A = arith.select %eq3A_143, %broadcast_in_dim3A_148, %broadcast_in_dim3A_76 : vector<16xi1>, vector<16xf32>
    %reduce_sum3A_149 = arith.constant true
    %reduce_sum3A_150 = vector.broadcast %reduce_sum3A_149 : i1 to vector<16xi1>
    %reduce_sum3A_151 = tpu.scan <sum>, %add3A_140 masked %reduce_sum3A_150 : vector<16xf32>, vector<16xi1> -> vector<16xf32>
    %reduce_sum3A_152 = vector.extract %reduce_sum3A_151[15] : f32 from vector<16xf32>
    %broadcast_in_dim3A_153 = vector.broadcast %reduce_sum3A_152 : f32 to vector<16xf32>
    %select_n3A_154 = arith.select %eq3A_143, %broadcast_in_dim3A_153, %broadcast_in_dim3A_78 : vector<16xi1>, vector<16xf32>
    %get3A_155 = arith.constant 1 : i32
    %get3A_156 = arith.index_cast %get3A_155 : i32 to index
    %get3A_157 = arith.constant 0 : index
    %get3A_158 = tpu.vector_load %arg10[%get3A_156, %get3A_157] {strides = array<i32>} : memref<16x128xf32, #tpu.memory_space<vmem>>, vector<16xf32>,
    %mul3A_159 = arith.mulf %get3A_158, %get3A_29 : vector<16xf32>
    %mul3A_160 = arith.mulf %get3A_158, %get3A_158 : vector<16xf32>
    %get3A_161 = arith.constant 1 : i32
    %get3A_162 = arith.index_cast %get3A_161 : i32 to index
    %get3A_163 = arith.constant 16 : index
    %get3A_164 = tpu.vector_load %arg10[%get3A_162, %get3A_163] {strides = array<i32>} : memref<16x128xf32, #tpu.memory_space<vmem>>, vector<16xf32>,
    %mul3A_165 = arith.mulf %get3A_164, %get3A_33 : vector<16xf32>
    %add3A_166 = arith.addf %mul3A_159, %mul3A_165 : vector<16xf32>
    %mul3A_167 = arith.mulf %get3A_164, %get3A_164 : vector<16xf32>
    %add3A_168 = arith.addf %mul3A_160, %mul3A_167 : vector<16xf32>
    %get3A_169 = arith.constant 1 : i32
    %get3A_170 = arith.index_cast %get3A_169 : i32 to index
    %get3A_171 = arith.constant 32 : index
    %get3A_172 = tpu.vector_load %arg10[%get3A_170, %get3A_171] {strides = array<i32>} : memref<16x128xf32, #tpu.memory_space<vmem>>, vector<16xf32>,
    %mul3A_173 = arith.mulf %get3A_172, %get3A_37 : vector<16xf32>
    %add3A_174 = arith.addf %add3A_166, %mul3A_173 : vector<16xf32>
    %mul3A_175 = arith.mulf %get3A_172, %get3A_172 : vector<16xf32>
    %add3A_176 = arith.addf %add3A_168, %mul3A_175 : vector<16xf32>
    %get3A_177 = arith.constant 1 : i32
    %get3A_178 = arith.index_cast %get3A_177 : i32 to index
    %get3A_179 = arith.constant 48 : index
    %get3A_180 = tpu.vector_load %arg10[%get3A_178, %get3A_179] {strides = array<i32>} : memref<16x128xf32, #tpu.memory_space<vmem>>, vector<16xf32>,
    %mul3A_181 = arith.mulf %get3A_180, %get3A_41 : vector<16xf32>
    %add3A_182 = arith.addf %add3A_174, %mul3A_181 : vector<16xf32>
    %mul3A_183 = arith.mulf %get3A_180, %get3A_180 : vector<16xf32>
    %add3A_184 = arith.addf %add3A_176, %mul3A_183 : vector<16xf32>
    %get3A_185 = arith.constant 1 : i32
    %get3A_186 = arith.index_cast %get3A_185 : i32 to index
    %get3A_187 = arith.constant 64 : index
    %get3A_188 = tpu.vector_load %arg10[%get3A_186, %get3A_187] {strides = array<i32>} : memref<16x128xf32, #tpu.memory_space<vmem>>, vector<16xf32>,
    %mul3A_189 = arith.mulf %get3A_188, %get3A_45 : vector<16xf32>
    %add3A_190 = arith.addf %add3A_182, %mul3A_189 : vector<16xf32>
    %mul3A_191 = arith.mulf %get3A_188, %get3A_188 : vector<16xf32>
    %add3A_192 = arith.addf %add3A_184, %mul3A_191 : vector<16xf32>
    %get3A_193 = arith.constant 1 : i32
    %get3A_194 = arith.index_cast %get3A_193 : i32 to index
    %get3A_195 = arith.constant 80 : index
    %get3A_196 = tpu.vector_load %arg10[%get3A_194, %get3A_195] {strides = array<i32>} : memref<16x128xf32, #tpu.memory_space<vmem>>, vector<16xf32>,
    %mul3A_197 = arith.mulf %get3A_196, %get3A_49 : vector<16xf32>
    %add3A_198 = arith.addf %add3A_190, %mul3A_197 : vector<16xf32>
    %mul3A_199 = arith.mulf %get3A_196, %get3A_196 : vector<16xf32>
    %add3A_200 = arith.addf %add3A_192, %mul3A_199 : vector<16xf32>
    %get3A_201 = arith.constant 1 : i32
    %get3A_202 = arith.index_cast %get3A_201 : i32 to index
    %get3A_203 = arith.constant 96 : index
    %get3A_204 = tpu.vector_load %arg10[%get3A_202, %get3A_203] {strides = array<i32>} : memref<16x128xf32, #tpu.memory_space<vmem>>, vector<16xf32>,
    %mul3A_205 = arith.mulf %get3A_204, %get3A_53 : vector<16xf32>
    %add3A_206 = arith.addf %add3A_198, %mul3A_205 : vector<16xf32>
    %mul3A_207 = arith.mulf %get3A_204, %get3A_204 : vector<16xf32>
    %add3A_208 = arith.addf %add3A_200, %mul3A_207 : vector<16xf32>
    %get3A_209 = arith.constant 1 : i32
    %get3A_210 = arith.index_cast %get3A_209 : i32 to index
    %get3A_211 = arith.constant 112 : index
    %get3A_212 = tpu.vector_load %arg10[%get3A_210, %get3A_211] {strides = array<i32>} : memref<16x128xf32, #tpu.memory_space<vmem>>, vector<16xf32>,
    %mul3A_213 = arith.mulf %get3A_212, %get3A_57 : vector<16xf32>
    %add3A_214 = arith.addf %add3A_206, %mul3A_213 : vector<16xf32>
    %mul3A_215 = arith.mulf %get3A_212, %get3A_212 : vector<16xf32>
    %add3A_216 = arith.addf %add3A_208, %mul3A_215 : vector<16xf32>
    %eq3A_217 = arith.constant 1 : i32
    %eq3A_218 = vector.broadcast %eq3A_217 : i32 to vector<16xi32>
    %eq3A_219 = arith.cmpi eq, %iota3A, %eq3A_218 : vector<16xi32>
    %reduce_sum3A_220 = arith.constant true
    %reduce_sum3A_221 = vector.broadcast %reduce_sum3A_220 : i1 to vector<16xi1>
    %reduce_sum3A_222 = tpu.scan <sum>, %add3A_214 masked %reduce_sum3A_221 : vector<16xf32>, vector<16xi1> -> vector<16xf32>
    %reduce_sum3A_223 = vector.extract %reduce_sum3A_222[15] : f32 from vector<16xf32>
    %broadcast_in_dim3A_224 = vector.broadcast %reduce_sum3A_223 : f32 to vector<16xf32>
    %select_n3A_225 = arith.select %eq3A_219, %broadcast_in_dim3A_224, %select_n3A : vector<16xi1>, vector<16xf32>
    %reduce_sum3A_226 = arith.constant true
    %reduce_sum3A_227 = vector.broadcast %reduce_sum3A_226 : i1 to vector<16xi1>
    %reduce_sum3A_228 = tpu.scan <sum>, %add3A_216 masked %reduce_sum3A_227 : vector<16xf32>, vector<16xi1> -> vector<16xf32>
    %reduce_sum3A_229 = vector.extract %reduce_sum3A_228[15] : f32 from vector<16xf32>
    %broadcast_in_dim3A_230 = vector.broadcast %reduce_sum3A_229 : f32 to vector<16xf32>
    %select_n3A_231 = arith.select %eq3A_219, %broadcast_in_dim3A_230, %select_n3A_154 : vector<16xi1>, vector<16xf32>
    %get3A_232 = arith.constant 2 : i32
    %get3A_233 = arith.index_cast %get3A_232 : i32 to index
    %get3A_234 = arith.constant 0 : index
    %get3A_235 = tpu.vector_load %arg10[%get3A_233, %get3A_234] {strides = array<i32>} : memref<16x128xf32, #tpu.memory_space<vmem>>, vector<16xf32>,
    %mul3A_236 = arith.mulf %get3A_235, %get3A_29 : vector<16xf32>
    %mul3A_237 = arith.mulf %get3A_235, %get3A_235 : vector<16xf32>
    %get3A_238 = arith.constant 2 : i32
    %get3A_239 = arith.index_cast %get3A_238 : i32 to index
    %get3A_240 = arith.constant 16 : index
    %get3A_241 = tpu.vector_load %arg10[%get3A_239, %get3A_240] {strides = array<i32>} : memref<16x128xf32, #tpu.memory_space<vmem>>, vector<16xf32>,
    %mul3A_242 = arith.mulf %get3A_241, %get3A_33 : vector<16xf32>
    %add3A_243 = arith.addf %mul3A_236, %mul3A_242 : vector<16xf32>
    %mul3A_244 = arith.mulf %get3A_241, %get3A_241 : vector<16xf32>
    %add3A_245 = arith.addf %mul3A_237, %mul3A_244 : vector<16xf32>
    %get3A_246 = arith.constant 2 : i32
    %get3A_247 = arith.index_cast %get3A_246 : i32 to index
    %get3A_248 = arith.constant 32 : index
    %get3A_249 = tpu.vector_load %arg10[%get3A_247, %get3A_248] {strides = array<i32>} : memref<16x128xf32, #tpu.memory_space<vmem>>, vector<16xf32>,
    %mul3A_250 = arith.mulf %get3A_249, %get3A_37 : vector<16xf32>
    %add3A_251 = arith.addf %add3A_243, %mul3A_250 : vector<16xf32>
    %mul3A_252 = arith.mulf %get3A_249, %get3A_249 : vector<16xf32>
    %add3A_253 = arith.addf %add3A_245, %mul3A_252 : vector<16xf32>
    %get3A_254 = arith.constant 2 : i32
    %get3A_255 = arith.index_cast %get3A_254 : i32 to index
    %get3A_256 = arith.constant 48 : index
    %get3A_257 = tpu.vector_load %arg10[%get3A_255, %get3A_256] {strides = array<i32>} : memref<16x128xf32, #tpu.memory_space<vmem>>, vector<16xf32>,
    %mul3A_258 = arith.mulf %get3A_257, %get3A_41 : vector<16xf32>
    %add3A_259 = arith.addf %add3A_251, %mul3A_258 : vector<16xf32>
    %mul3A_260 = arith.mulf %get3A_257, %get3A_257 : vector<16xf32>
    %add3A_261 = arith.addf %add3A_253, %mul3A_260 : vector<16xf32>
    %get3A_262 = arith.constant 2 : i32
    %get3A_263 = arith.index_cast %get3A_262 : i32 to index
    %get3A_264 = arith.constant 64 : index
    %get3A_265 = tpu.vector_load %arg10[%get3A_263, %get3A_264] {strides = array<i32>} : memref<16x128xf32, #tpu.memory_space<vmem>>, vector<16xf32>,
    %mul3A_266 = arith.mulf %get3A_265, %get3A_45 : vector<16xf32>
    %add3A_267 = arith.addf %add3A_259, %mul3A_266 : vector<16xf32>
    %mul3A_268 = arith.mulf %get3A_265, %get3A_265 : vector<16xf32>
    %add3A_269 = arith.addf %add3A_261, %mul3A_268 : vector<16xf32>
    %get3A_270 = arith.constant 2 : i32
    %get3A_271 = arith.index_cast %get3A_270 : i32 to index
    %get3A_272 = arith.constant 80 : index
    %get3A_273 = tpu.vector_load %arg10[%get3A_271, %get3A_272] {strides = array<i32>} : memref<16x128xf32, #tpu.memory_space<vmem>>, vector<16xf32>,
    %mul3A_274 = arith.mulf %get3A_273, %get3A_49 : vector<16xf32>
    %add3A_275 = arith.addf %add3A_267, %mul3A_274 : vector<16xf32>
    %mul3A_276 = arith.mulf %get3A_273, %get3A_273 : vector<16xf32>
    %add3A_277 = arith.addf %add3A_269, %mul3A_276 : vector<16xf32>
    %get3A_278 = arith.constant 2 : i32
    %get3A_279 = arith.index_cast %get3A_278 : i32 to index
    %get3A_280 = arith.constant 96 : index
    %get3A_281 = tpu.vector_load %arg10[%get3A_279, %get3A_280] {strides = array<i32>} : memref<16x128xf32, #tpu.memory_space<vmem>>, vector<16xf32>,
    %mul3A_282 = arith.mulf %get3A_281, %get3A_53 : vector<16xf32>
    %add3A_283 = arith.addf %add3A_275, %mul3A_282 : vector<16xf32>
    %mul3A_284 = arith.mulf %get3A_281, %get3A_281 : vector<16xf32>
    %add3A_285 = arith.addf %add3A_277, %mul3A_284 : vector<16xf32>
    %get3A_286 = arith.constant 2 : i32
    %get3A_287 = arith.index_cast %get3A_286 : i32 to index
    %get3A_288 = arith.constant 112 : index
    %get3A_289 = tpu.vector_load %arg10[%get3A_287, %get3A_288] {strides = array<i32>} : memref<16x128xf32, #tpu.memory_space<vmem>>, vector<16xf32>,
    %mul3A_290 = arith.mulf %get3A_289, %get3A_57 : vector<16xf32>
    %add3A_291 = arith.addf %add3A_283, %mul3A_290 : vector<16xf32>
    %mul3A_292 = arith.mulf %get3A_289, %get3A_289 : vector<16xf32>
    %add3A_293 = arith.addf %add3A_285, %mul3A_292 : vector<16xf32>
    %eq3A_294 = arith.constant 2 : i32
    %eq3A_295 = vector.broadcast %eq3A_294 : i32 to vector<16xi32>
    %eq3A_296 = arith.cmpi eq, %iota3A, %eq3A_295 : vector<16xi32>
    %reduce_sum3A_297 = arith.constant true
    %reduce_sum3A_298 = vector.broadcast %reduce_sum3A_297 : i1 to vector<16xi1>
    %reduce_sum3A_299 = tpu.scan <sum>, %add3A_291 masked %reduce_sum3A_298 : vector<16xf32>, vector<16xi1> -> vector<16xf32>
    %reduce_sum3A_300 = vector.extract %reduce_sum3A_299[15] : f32 from vector<16xf32>
    %broadcast_in_dim3A_301 = vector.broadcast %reduce_sum3A_300 : f32 to vector<16xf32>
    %select_n3A_302 = arith.select %eq3A_296, %broadcast_in_dim3A_301, %select_n3A_225 : vector<16xi1>, vector<16xf32>
    %reduce_sum3A_303 = arith.constant true
    %reduce_sum3A_304 = vector.broadcast %reduce_sum3A_303 : i1 to vector<16xi1>
    %reduce_sum3A_305 = tpu.scan <sum>, %add3A_293 masked %reduce_sum3A_304 : vector<16xf32>, vector<16xi1> -> vector<16xf32>
    %reduce_sum3A_306 = vector.extract %reduce_sum3A_305[15] : f32 from vector<16xf32>
    %broadcast_in_dim3A_307 = vector.broadcast %reduce_sum3A_306 : f32 to vector<16xf32>
    %select_n3A_308 = arith.select %eq3A_296, %broadcast_in_dim3A_307, %select_n3A_231 : vector<16xi1>, vector<16xf32>
    %get3A_309 = arith.constant 3 : i32
    %get3A_310 = arith.index_cast %get3A_309 : i32 to index
    %get3A_311 = arith.constant 0 : index
    %get3A_312 = tpu.vector_load %arg10[%get3A_310, %get3A_311] {strides = array<i32>} : memref<16x128xf32, #tpu.memory_space<vmem>>, vector<16xf32>,
    %mul3A_313 = arith.mulf %get3A_312, %get3A_29 : vector<16xf32>
    %mul3A_314 = arith.mulf %get3A_312, %get3A_312 : vector<16xf32>
    %get3A_315 = arith.constant 3 : i32
    %get3A_316 = arith.index_cast %get3A_315 : i32 to index
    %get3A_317 = arith.constant 16 : index
    %get3A_318 = tpu.vector_load %arg10[%get3A_316, %get3A_317] {strides = array<i32>} : memref<16x128xf32, #tpu.memory_space<vmem>>, vector<16xf32>,
    %mul3A_319 = arith.mulf %get3A_318, %get3A_33 : vector<16xf32>
    %add3A_320 = arith.addf %mul3A_313, %mul3A_319 : vector<16xf32>
    %mul3A_321 = arith.mulf %get3A_318, %get3A_318 : vector<16xf32>
    %add3A_322 = arith.addf %mul3A_314, %mul3A_321 : vector<16xf32>
    %get3A_323 = arith.constant 3 : i32
    %get3A_324 = arith.index_cast %get3A_323 : i32 to index
    %get3A_325 = arith.constant 32 : index
    %get3A_326 = tpu.vector_load %arg10[%get3A_324, %get3A_325] {strides = array<i32>} : memref<16x128xf32, #tpu.memory_space<vmem>>, vector<16xf32>,
    %mul3A_327 = arith.mulf %get3A_326, %get3A_37 : vector<16xf32>
    %add3A_328 = arith.addf %add3A_320, %mul3A_327 : vector<16xf32>
    %mul3A_329 = arith.mulf %get3A_326, %get3A_326 : vector<16xf32>
    %add3A_330 = arith.addf %add3A_322, %mul3A_329 : vector<16xf32>
    %get3A_331 = arith.constant 3 : i32
    %get3A_332 = arith.index_cast %get3A_331 : i32 to index
    %get3A_333 = arith.constant 48 : index
    %get3A_334 = tpu.vector_load %arg10[%get3A_332, %get3A_333] {strides = array<i32>} : memref<16x128xf32, #tpu.memory_space<vmem>>, vector<16xf32>,
    %mul3A_335 = arith.mulf %get3A_334, %get3A_41 : vector<16xf32>
    %add3A_336 = arith.addf %add3A_328, %mul3A_335 : vector<16xf32>
    %mul3A_337 = arith.mulf %get3A_334, %get3A_334 : vector<16xf32>
    %add3A_338 = arith.addf %add3A_330, %mul3A_337 : vector<16xf32>
    %get3A_339 = arith.constant 3 : i32
    %get3A_340 = arith.index_cast %get3A_339 : i32 to index
    %get3A_341 = arith.constant 64 : index
    %get3A_342 = tpu.vector_load %arg10[%get3A_340, %get3A_341] {strides = array<i32>} : memref<16x128xf32, #tpu.memory_space<vmem>>, vector<16xf32>,
    %mul3A_343 = arith.mulf %get3A_342, %get3A_45 : vector<16xf32>
    %add3A_344 = arith.addf %add3A_336, %mul3A_343 : vector<16xf32>
    %mul3A_345 = arith.mulf %get3A_342, %get3A_342 : vector<16xf32>
    %add3A_346 = arith.addf %add3A_338, %mul3A_345 : vector<16xf32>
    %get3A_347 = arith.constant 3 : i32
    %get3A_348 = arith.index_cast %get3A_347 : i32 to index
    %get3A_349 = arith.constant 80 : index
    %get3A_350 = tpu.vector_load %arg10[%get3A_348, %get3A_349] {strides = array<i32>} : memref<16x128xf32, #tpu.memory_space<vmem>>, vector<16xf32>,
    %mul3A_351 = arith.mulf %get3A_350, %get3A_49 : vector<16xf32>
    %add3A_352 = arith.addf %add3A_344, %mul3A_351 : vector<16xf32>
    %mul3A_353 = arith.mulf %get3A_350, %get3A_350 : vector<16xf32>
    %add3A_354 = arith.addf %add3A_346, %mul3A_353 : vector<16xf32>
    %get3A_355 = arith.constant 3 : i32
    %get3A_356 = arith.index_cast %get3A_355 : i32 to index
    %get3A_357 = arith.constant 96 : index
    %get3A_358 = tpu.vector_load %arg10[%get3A_356, %get3A_357] {strides = array<i32>} : memref<16x128xf32, #tpu.memory_space<vmem>>, vector<16xf32>,
    %mul3A_359 = arith.mulf %get3A_358, %get3A_53 : vector<16xf32>
    %add3A_360 = arith.addf %add3A_352, %mul3A_359 : vector<16xf32>
    %mul3A_361 = arith.mulf %get3A_358, %get3A_358 : vector<16xf32>
    %add3A_362 = arith.addf %add3A_354, %mul3A_361 : vector<16xf32>
    %get3A_363 = arith.constant 3 : i32
    %get3A_364 = arith.index_cast %get3A_363 : i32 to index
    %get3A_365 = arith.constant 112 : index
    %get3A_366 = tpu.vector_load %arg10[%get3A_364, %get3A_365] {strides = array<i32>} : memref<16x128xf32, #tpu.memory_space<vmem>>, vector<16xf32>,
    %mul3A_367 = arith.mulf %get3A_366, %get3A_57 : vector<16xf32>
    %add3A_368 = arith.addf %add3A_360, %mul3A_367 : vector<16xf32>
    %mul3A_369 = arith.mulf %get3A_366, %get3A_366 : vector<16xf32>
    %add3A_370 = arith.addf %add3A_362, %mul3A_369 : vector<16xf32>
    %eq3A_371 = arith.constant 3 : i32
    %eq3A_372 = vector.broadcast %eq3A_371 : i32 to vector<16xi32>
    %eq3A_373 = arith.cmpi eq, %iota3A, %eq3A_372 : vector<16xi32>
    %reduce_sum3A_374 = arith.constant true
    %reduce_sum3A_375 = vector.broadcast %reduce_sum3A_374 : i1 to vector<16xi1>
    %reduce_sum3A_376 = tpu.scan <sum>, %add3A_368 masked %reduce_sum3A_375 : vector<16xf32>, vector<16xi1> -> vector<16xf32>
    %reduce_sum3A_377 = vector.extract %reduce_sum3A_376[15] : f32 from vector<16xf32>
    %broadcast_in_dim3A_378 = vector.broadcast %reduce_sum3A_377 : f32 to vector<16xf32>
    %select_n3A_379 = arith.select %eq3A_373, %broadcast_in_dim3A_378, %select_n3A_302 : vector<16xi1>, vector<16xf32>
    %reduce_sum3A_380 = arith.constant true
    %reduce_sum3A_381 = vector.broadcast %reduce_sum3A_380 : i1 to vector<16xi1>
    %reduce_sum3A_382 = tpu.scan <sum>, %add3A_370 masked %reduce_sum3A_381 : vector<16xf32>, vector<16xi1> -> vector<16xf32>
    %reduce_sum3A_383 = vector.extract %reduce_sum3A_382[15] : f32 from vector<16xf32>
    %broadcast_in_dim3A_384 = vector.broadcast %reduce_sum3A_383 : f32 to vector<16xf32>
    %select_n3A_385 = arith.select %eq3A_373, %broadcast_in_dim3A_384, %select_n3A_308 : vector<16xi1>, vector<16xf32>
    %get3A_386 = arith.constant 4 : i32
    %get3A_387 = arith.index_cast %get3A_386 : i32 to index
    %get3A_388 = arith.constant 0 : index
    %get3A_389 = tpu.vector_load %arg10[%get3A_387, %get3A_388] {strides = array<i32>} : memref<16x128xf32, #tpu.memory_space<vmem>>, vector<16xf32>,
    %mul3A_390 = arith.mulf %get3A_389, %get3A_29 : vector<16xf32>
    %mul3A_391 = arith.mulf %get3A_389, %get3A_389 : vector<16xf32>
    %get3A_392 = arith.constant 4 : i32
    %get3A_393 = arith.index_cast %get3A_392 : i32 to index
    %get3A_394 = arith.constant 16 : index
    %get3A_395 = tpu.vector_load %arg10[%get3A_393, %get3A_394] {strides = array<i32>} : memref<16x128xf32, #tpu.memory_space<vmem>>, vector<16xf32>,
    %mul3A_396 = arith.mulf %get3A_395, %get3A_33 : vector<16xf32>
    %add3A_397 = arith.addf %mul3A_390, %mul3A_396 : vector<16xf32>
    %mul3A_398 = arith.mulf %get3A_395, %get3A_395 : vector<16xf32>
    %add3A_399 = arith.addf %mul3A_391, %mul3A_398 : vector<16xf32>
    %get3A_400 = arith.constant 4 : i32
    %get3A_401 = arith.index_cast %get3A_400 : i32 to index
    %get3A_402 = arith.constant 32 : index
    %get3A_403 = tpu.vector_load %arg10[%get3A_401, %get3A_402] {strides = array<i32>} : memref<16x128xf32, #tpu.memory_space<vmem>>, vector<16xf32>,
    %mul3A_404 = arith.mulf %get3A_403, %get3A_37 : vector<16xf32>
    %add3A_405 = arith.addf %add3A_397, %mul3A_404 : vector<16xf32>
    %mul3A_406 = arith.mulf %get3A_403, %get3A_403 : vector<16xf32>
    %add3A_407 = arith.addf %add3A_399, %mul3A_406 : vector<16xf32>
    %get3A_408 = arith.constant 4 : i32
    %get3A_409 = arith.index_cast %get3A_408 : i32 to index
    %get3A_410 = arith.constant 48 : index
    %get3A_411 = tpu.vector_load %arg10[%get3A_409, %get3A_410] {strides = array<i32>} : memref<16x128xf32, #tpu.memory_space<vmem>>, vector<16xf32>,
    %mul3A_412 = arith.mulf %get3A_411, %get3A_41 : vector<16xf32>
    %add3A_413 = arith.addf %add3A_405, %mul3A_412 : vector<16xf32>
    %mul3A_414 = arith.mulf %get3A_411, %get3A_411 : vector<16xf32>
    %add3A_415 = arith.addf %add3A_407, %mul3A_414 : vector<16xf32>
    %get3A_416 = arith.constant 4 : i32
    %get3A_417 = arith.index_cast %get3A_416 : i32 to index
    %get3A_418 = arith.constant 64 : index
    %get3A_419 = tpu.vector_load %arg10[%get3A_417, %get3A_418] {strides = array<i32>} : memref<16x128xf32, #tpu.memory_space<vmem>>, vector<16xf32>,
    %mul3A_420 = arith.mulf %get3A_419, %get3A_45 : vector<16xf32>
    %add3A_421 = arith.addf %add3A_413, %mul3A_420 : vector<16xf32>
    %mul3A_422 = arith.mulf %get3A_419, %get3A_419 : vector<16xf32>
    %add3A_423 = arith.addf %add3A_415, %mul3A_422 : vector<16xf32>
    %get3A_424 = arith.constant 4 : i32
    %get3A_425 = arith.index_cast %get3A_424 : i32 to index
    %get3A_426 = arith.constant 80 : index
    %get3A_427 = tpu.vector_load %arg10[%get3A_425, %get3A_426] {strides = array<i32>} : memref<16x128xf32, #tpu.memory_space<vmem>>, vector<16xf32>,
    %mul3A_428 = arith.mulf %get3A_427, %get3A_49 : vector<16xf32>
    %add3A_429 = arith.addf %add3A_421, %mul3A_428 : vector<16xf32>
    %mul3A_430 = arith.mulf %get3A_427, %get3A_427 : vector<16xf32>
    %add3A_431 = arith.addf %add3A_423, %mul3A_430 : vector<16xf32>
    %get3A_432 = arith.constant 4 : i32
    %get3A_433 = arith.index_cast %get3A_432 : i32 to index
    %get3A_434 = arith.constant 96 : index
    %get3A_435 = tpu.vector_load %arg10[%get3A_433, %get3A_434] {strides = array<i32>} : memref<16x128xf32, #tpu.memory_space<vmem>>, vector<16xf32>,
    %mul3A_436 = arith.mulf %get3A_435, %get3A_53 : vector<16xf32>
    %add3A_437 = arith.addf %add3A_429, %mul3A_436 : vector<16xf32>
    %mul3A_438 = arith.mulf %get3A_435, %get3A_435 : vector<16xf32>
    %add3A_439 = arith.addf %add3A_431, %mul3A_438 : vector<16xf32>
    %get3A_440 = arith.constant 4 : i32
    %get3A_441 = arith.index_cast %get3A_440 : i32 to index
    %get3A_442 = arith.constant 112 : index
    %get3A_443 = tpu.vector_load %arg10[%get3A_441, %get3A_442] {strides = array<i32>} : memref<16x128xf32, #tpu.memory_space<vmem>>, vector<16xf32>,
    %mul3A_444 = arith.mulf %get3A_443, %get3A_57 : vector<16xf32>
    %add3A_445 = arith.addf %add3A_437, %mul3A_444 : vector<16xf32>
    %mul3A_446 = arith.mulf %get3A_443, %get3A_443 : vector<16xf32>
    %add3A_447 = arith.addf %add3A_439, %mul3A_446 : vector<16xf32>
    %eq3A_448 = arith.constant 4 : i32
    %eq3A_449 = vector.broadcast %eq3A_448 : i32 to vector<16xi32>
    %eq3A_450 = arith.cmpi eq, %iota3A, %eq3A_449 : vector<16xi32>
    %reduce_sum3A_451 = arith.constant true
    %reduce_sum3A_452 = vector.broadcast %reduce_sum3A_451 : i1 to vector<16xi1>
    %reduce_sum3A_453 = tpu.scan <sum>, %add3A_445 masked %reduce_sum3A_452 : vector<16xf32>, vector<16xi1> -> vector<16xf32>
    %reduce_sum3A_454 = vector.extract %reduce_sum3A_453[15] : f32 from vector<16xf32>
    %broadcast_in_dim3A_455 = vector.broadcast %reduce_sum3A_454 : f32 to vector<16xf32>
    %select_n3A_456 = arith.select %eq3A_450, %broadcast_in_dim3A_455, %select_n3A_379 : vector<16xi1>, vector<16xf32>
    %reduce_sum3A_457 = arith.constant true
    %reduce_sum3A_458 = vector.broadcast %reduce_sum3A_457 : i1 to vector<16xi1>
    %reduce_sum3A_459 = tpu.scan <sum>, %add3A_447 masked %reduce_sum3A_458 : vector<16xf32>, vector<16xi1> -> vector<16xf32>
    %reduce_sum3A_460 = vector.extract %reduce_sum3A_459[15] : f32 from vector<16xf32>
    %broadcast_in_dim3A_461 = vector.broadcast %reduce_sum3A_460 : f32 to vector<16xf32>
    %select_n3A_462 = arith.select %eq3A_450, %broadcast_in_dim3A_461, %select_n3A_385 : vector<16xi1>, vector<16xf32>
    %get3A_463 = arith.constant 5 : i32
    %get3A_464 = arith.index_cast %get3A_463 : i32 to index
    %get3A_465 = arith.constant 0 : index
    %get3A_466 = tpu.vector_load %arg10[%get3A_464, %get3A_465] {strides = array<i32>} : memref<16x128xf32, #tpu.memory_space<vmem>>, vector<16xf32>,
    %mul3A_467 = arith.mulf %get3A_466, %get3A_29 : vector<16xf32>
    %mul3A_468 = arith.mulf %get3A_466, %get3A_466 : vector<16xf32>
    %get3A_469 = arith.constant 5 : i32
    %get3A_470 = arith.index_cast %get3A_469 : i32 to index
    %get3A_471 = arith.constant 16 : index
    %get3A_472 = tpu.vector_load %arg10[%get3A_470, %get3A_471] {strides = array<i32>} : memref<16x128xf32, #tpu.memory_space<vmem>>, vector<16xf32>,
    %mul3A_473 = arith.mulf %get3A_472, %get3A_33 : vector<16xf32>
    %add3A_474 = arith.addf %mul3A_467, %mul3A_473 : vector<16xf32>
    %mul3A_475 = arith.mulf %get3A_472, %get3A_472 : vector<16xf32>
    %add3A_476 = arith.addf %mul3A_468, %mul3A_475 : vector<16xf32>
    %get3A_477 = arith.constant 5 : i32
    %get3A_478 = arith.index_cast %get3A_477 : i32 to index
    %get3A_479 = arith.constant 32 : index
    %get3A_480 = tpu.vector_load %arg10[%get3A_478, %get3A_479] {strides = array<i32>} : memref<16x128xf32, #tpu.memory_space<vmem>>, vector<16xf32>,
    %mul3A_481 = arith.mulf %get3A_480, %get3A_37 : vector<16xf32>
    %add3A_482 = arith.addf %add3A_474, %mul3A_481 : vector<16xf32>
    %mul3A_483 = arith.mulf %get3A_480, %get3A_480 : vector<16xf32>
    %add3A_484 = arith.addf %add3A_476, %mul3A_483 : vector<16xf32>
    %get3A_485 = arith.constant 5 : i32
    %get3A_486 = arith.index_cast %get3A_485 : i32 to index
    %get3A_487 = arith.constant 48 : index
    %get3A_488 = tpu.vector_load %arg10[%get3A_486, %get3A_487] {strides = array<i32>} : memref<16x128xf32, #tpu.memory_space<vmem>>, vector<16xf32>,
    %mul3A_489 = arith.mulf %get3A_488, %get3A_41 : vector<16xf32>
    %add3A_490 = arith.addf %add3A_482, %mul3A_489 : vector<16xf32>
    %mul3A_491 = arith.mulf %get3A_488, %get3A_488 : vector<16xf32>
    %add3A_492 = arith.addf %add3A_484, %mul3A_491 : vector<16xf32>
    %get3A_493 = arith.constant 5 : i32
    %get3A_494 = arith.index_cast %get3A_493 : i32 to index
    %get3A_495 = arith.constant 64 : index
    %get3A_496 = tpu.vector_load %arg10[%get3A_494, %get3A_495] {strides = array<i32>} : memref<16x128xf32, #tpu.memory_space<vmem>>, vector<16xf32>,
    %mul3A_497 = arith.mulf %get3A_496, %get3A_45 : vector<16xf32>
    %add3A_498 = arith.addf %add3A_490, %mul3A_497 : vector<16xf32>
    %mul3A_499 = arith.mulf %get3A_496, %get3A_496 : vector<16xf32>
    %add3A_500 = arith.addf %add3A_492, %mul3A_499 : vector<16xf32>
    %get3A_501 = arith.constant 5 : i32
    %get3A_502 = arith.index_cast %get3A_501 : i32 to index
    %get3A_503 = arith.constant 80 : index
    %get3A_504 = tpu.vector_load %arg10[%get3A_502, %get3A_503] {strides = array<i32>} : memref<16x128xf32, #tpu.memory_space<vmem>>, vector<16xf32>,
    %mul3A_505 = arith.mulf %get3A_504, %get3A_49 : vector<16xf32>
    %add3A_506 = arith.addf %add3A_498, %mul3A_505 : vector<16xf32>
    %mul3A_507 = arith.mulf %get3A_504, %get3A_504 : vector<16xf32>
    %add3A_508 = arith.addf %add3A_500, %mul3A_507 : vector<16xf32>
    %get3A_509 = arith.constant 5 : i32
    %get3A_510 = arith.index_cast %get3A_509 : i32 to index
    %get3A_511 = arith.constant 96 : index
    %get3A_512 = tpu.vector_load %arg10[%get3A_510, %get3A_511] {strides = array<i32>} : memref<16x128xf32, #tpu.memory_space<vmem>>, vector<16xf32>,
    %mul3A_513 = arith.mulf %get3A_512, %get3A_53 : vector<16xf32>
    %add3A_514 = arith.addf %add3A_506, %mul3A_513 : vector<16xf32>
    %mul3A_515 = arith.mulf %get3A_512, %get3A_512 : vector<16xf32>
    %add3A_516 = arith.addf %add3A_508, %mul3A_515 : vector<16xf32>
    %get3A_517 = arith.constant 5 : i32
    %get3A_518 = arith.index_cast %get3A_517 : i32 to index
    %get3A_519 = arith.constant 112 : index
    %get3A_520 = tpu.vector_load %arg10[%get3A_518, %get3A_519] {strides = array<i32>} : memref<16x128xf32, #tpu.memory_space<vmem>>, vector<16xf32>,
    %mul3A_521 = arith.mulf %get3A_520, %get3A_57 : vector<16xf32>
    %add3A_522 = arith.addf %add3A_514, %mul3A_521 : vector<16xf32>
    %mul3A_523 = arith.mulf %get3A_520, %get3A_520 : vector<16xf32>
    %add3A_524 = arith.addf %add3A_516, %mul3A_523 : vector<16xf32>
    %eq3A_525 = arith.constant 5 : i32
    %eq3A_526 = vector.broadcast %eq3A_525 : i32 to vector<16xi32>
    %eq3A_527 = arith.cmpi eq, %iota3A, %eq3A_526 : vector<16xi32>
    %reduce_sum3A_528 = arith.constant true
    %reduce_sum3A_529 = vector.broadcast %reduce_sum3A_528 : i1 to vector<16xi1>
    %reduce_sum3A_530 = tpu.scan <sum>, %add3A_522 masked %reduce_sum3A_529 : vector<16xf32>, vector<16xi1> -> vector<16xf32>
    %reduce_sum3A_531 = vector.extract %reduce_sum3A_530[15] : f32 from vector<16xf32>
    %broadcast_in_dim3A_532 = vector.broadcast %reduce_sum3A_531 : f32 to vector<16xf32>
    %select_n3A_533 = arith.select %eq3A_527, %broadcast_in_dim3A_532, %select_n3A_456 : vector<16xi1>, vector<16xf32>
    %reduce_sum3A_534 = arith.constant true
    %reduce_sum3A_535 = vector.broadcast %reduce_sum3A_534 : i1 to vector<16xi1>
    %reduce_sum3A_536 = tpu.scan <sum>, %add3A_524 masked %reduce_sum3A_535 : vector<16xf32>, vector<16xi1> -> vector<16xf32>
    %reduce_sum3A_537 = vector.extract %reduce_sum3A_536[15] : f32 from vector<16xf32>
    %broadcast_in_dim3A_538 = vector.broadcast %reduce_sum3A_537 : f32 to vector<16xf32>
    %select_n3A_539 = arith.select %eq3A_527, %broadcast_in_dim3A_538, %select_n3A_462 : vector<16xi1>, vector<16xf32>
    %get3A_540 = arith.constant 6 : i32
    %get3A_541 = arith.index_cast %get3A_540 : i32 to index
    %get3A_542 = arith.constant 0 : index
    %get3A_543 = tpu.vector_load %arg10[%get3A_541, %get3A_542] {strides = array<i32>} : memref<16x128xf32, #tpu.memory_space<vmem>>, vector<16xf32>,
    %mul3A_544 = arith.mulf %get3A_543, %get3A_29 : vector<16xf32>
    %mul3A_545 = arith.mulf %get3A_543, %get3A_543 : vector<16xf32>
    %get3A_546 = arith.constant 6 : i32
    %get3A_547 = arith.index_cast %get3A_546 : i32 to index
    %get3A_548 = arith.constant 16 : index
    %get3A_549 = tpu.vector_load %arg10[%get3A_547, %get3A_548] {strides = array<i32>} : memref<16x128xf32, #tpu.memory_space<vmem>>, vector<16xf32>,
    %mul3A_550 = arith.mulf %get3A_549, %get3A_33 : vector<16xf32>
    %add3A_551 = arith.addf %mul3A_544, %mul3A_550 : vector<16xf32>
    %mul3A_552 = arith.mulf %get3A_549, %get3A_549 : vector<16xf32>
    %add3A_553 = arith.addf %mul3A_545, %mul3A_552 : vector<16xf32>
    %get3A_554 = arith.constant 6 : i32
    %get3A_555 = arith.index_cast %get3A_554 : i32 to index
    %get3A_556 = arith.constant 32 : index
    %get3A_557 = tpu.vector_load %arg10[%get3A_555, %get3A_556] {strides = array<i32>} : memref<16x128xf32, #tpu.memory_space<vmem>>, vector<16xf32>,
    %mul3A_558 = arith.mulf %get3A_557, %get3A_37 : vector<16xf32>
    %add3A_559 = arith.addf %add3A_551, %mul3A_558 : vector<16xf32>
    %mul3A_560 = arith.mulf %get3A_557, %get3A_557 : vector<16xf32>
    %add3A_561 = arith.addf %add3A_553, %mul3A_560 : vector<16xf32>
    %get3A_562 = arith.constant 6 : i32
    %get3A_563 = arith.index_cast %get3A_562 : i32 to index
    %get3A_564 = arith.constant 48 : index
    %get3A_565 = tpu.vector_load %arg10[%get3A_563, %get3A_564] {strides = array<i32>} : memref<16x128xf32, #tpu.memory_space<vmem>>, vector<16xf32>,
    %mul3A_566 = arith.mulf %get3A_565, %get3A_41 : vector<16xf32>
    %add3A_567 = arith.addf %add3A_559, %mul3A_566 : vector<16xf32>
    %mul3A_568 = arith.mulf %get3A_565, %get3A_565 : vector<16xf32>
    %add3A_569 = arith.addf %add3A_561, %mul3A_568 : vector<16xf32>
    %get3A_570 = arith.constant 6 : i32
    %get3A_571 = arith.index_cast %get3A_570 : i32 to index
    %get3A_572 = arith.constant 64 : index
    %get3A_573 = tpu.vector_load %arg10[%get3A_571, %get3A_572] {strides = array<i32>} : memref<16x128xf32, #tpu.memory_space<vmem>>, vector<16xf32>,
    %mul3A_574 = arith.mulf %get3A_573, %get3A_45 : vector<16xf32>
    %add3A_575 = arith.addf %add3A_567, %mul3A_574 : vector<16xf32>
    %mul3A_576 = arith.mulf %get3A_573, %get3A_573 : vector<16xf32>
    %add3A_577 = arith.addf %add3A_569, %mul3A_576 : vector<16xf32>
    %get3A_578 = arith.constant 6 : i32
    %get3A_579 = arith.index_cast %get3A_578 : i32 to index
    %get3A_580 = arith.constant 80 : index
    %get3A_581 = tpu.vector_load %arg10[%get3A_579, %get3A_580] {strides = array<i32>} : memref<16x128xf32, #tpu.memory_space<vmem>>, vector<16xf32>,
    %mul3A_582 = arith.mulf %get3A_581, %get3A_49 : vector<16xf32>
    %add3A_583 = arith.addf %add3A_575, %mul3A_582 : vector<16xf32>
    %mul3A_584 = arith.mulf %get3A_581, %get3A_581 : vector<16xf32>
    %add3A_585 = arith.addf %add3A_577, %mul3A_584 : vector<16xf32>
    %get3A_586 = arith.constant 6 : i32
    %get3A_587 = arith.index_cast %get3A_586 : i32 to index
    %get3A_588 = arith.constant 96 : index
    %get3A_589 = tpu.vector_load %arg10[%get3A_587, %get3A_588] {strides = array<i32>} : memref<16x128xf32, #tpu.memory_space<vmem>>, vector<16xf32>,
    %mul3A_590 = arith.mulf %get3A_589, %get3A_53 : vector<16xf32>
    %add3A_591 = arith.addf %add3A_583, %mul3A_590 : vector<16xf32>
    %mul3A_592 = arith.mulf %get3A_589, %get3A_589 : vector<16xf32>
    %add3A_593 = arith.addf %add3A_585, %mul3A_592 : vector<16xf32>
    %get3A_594 = arith.constant 6 : i32
    %get3A_595 = arith.index_cast %get3A_594 : i32 to index
    %get3A_596 = arith.constant 112 : index
    %get3A_597 = tpu.vector_load %arg10[%get3A_595, %get3A_596] {strides = array<i32>} : memref<16x128xf32, #tpu.memory_space<vmem>>, vector<16xf32>,
    %mul3A_598 = arith.mulf %get3A_597, %get3A_57 : vector<16xf32>
    %add3A_599 = arith.addf %add3A_591, %mul3A_598 : vector<16xf32>
    %mul3A_600 = arith.mulf %get3A_597, %get3A_597 : vector<16xf32>
    %add3A_601 = arith.addf %add3A_593, %mul3A_600 : vector<16xf32>
    %eq3A_602 = arith.constant 6 : i32
    %eq3A_603 = vector.broadcast %eq3A_602 : i32 to vector<16xi32>
    %eq3A_604 = arith.cmpi eq, %iota3A, %eq3A_603 : vector<16xi32>
    %reduce_sum3A_605 = arith.constant true
    %reduce_sum3A_606 = vector.broadcast %reduce_sum3A_605 : i1 to vector<16xi1>
    %reduce_sum3A_607 = tpu.scan <sum>, %add3A_599 masked %reduce_sum3A_606 : vector<16xf32>, vector<16xi1> -> vector<16xf32>
    %reduce_sum3A_608 = vector.extract %reduce_sum3A_607[15] : f32 from vector<16xf32>
    %broadcast_in_dim3A_609 = vector.broadcast %reduce_sum3A_608 : f32 to vector<16xf32>
    %select_n3A_610 = arith.select %eq3A_604, %broadcast_in_dim3A_609, %select_n3A_533 : vector<16xi1>, vector<16xf32>
    %reduce_sum3A_611 = arith.constant true
    %reduce_sum3A_612 = vector.broadcast %reduce_sum3A_611 : i1 to vector<16xi1>
    %reduce_sum3A_613 = tpu.scan <sum>, %add3A_601 masked %reduce_sum3A_612 : vector<16xf32>, vector<16xi1> -> vector<16xf32>
    %reduce_sum3A_614 = vector.extract %reduce_sum3A_613[15] : f32 from vector<16xf32>
    %broadcast_in_dim3A_615 = vector.broadcast %reduce_sum3A_614 : f32 to vector<16xf32>
    %select_n3A_616 = arith.select %eq3A_604, %broadcast_in_dim3A_615, %select_n3A_539 : vector<16xi1>, vector<16xf32>
    %get3A_617 = arith.constant 7 : i32
    %get3A_618 = arith.index_cast %get3A_617 : i32 to index
    %get3A_619 = arith.constant 0 : index
    %get3A_620 = tpu.vector_load %arg10[%get3A_618, %get3A_619] {strides = array<i32>} : memref<16x128xf32, #tpu.memory_space<vmem>>, vector<16xf32>,
    %mul3A_621 = arith.mulf %get3A_620, %get3A_29 : vector<16xf32>
    %mul3A_622 = arith.mulf %get3A_620, %get3A_620 : vector<16xf32>
    %get3A_623 = arith.constant 7 : i32
    %get3A_624 = arith.index_cast %get3A_623 : i32 to index
    %get3A_625 = arith.constant 16 : index
    %get3A_626 = tpu.vector_load %arg10[%get3A_624, %get3A_625] {strides = array<i32>} : memref<16x128xf32, #tpu.memory_space<vmem>>, vector<16xf32>,
    %mul3A_627 = arith.mulf %get3A_626, %get3A_33 : vector<16xf32>
    %add3A_628 = arith.addf %mul3A_621, %mul3A_627 : vector<16xf32>
    %mul3A_629 = arith.mulf %get3A_626, %get3A_626 : vector<16xf32>
    %add3A_630 = arith.addf %mul3A_622, %mul3A_629 : vector<16xf32>
    %get3A_631 = arith.constant 7 : i32
    %get3A_632 = arith.index_cast %get3A_631 : i32 to index
    %get3A_633 = arith.constant 32 : index
    %get3A_634 = tpu.vector_load %arg10[%get3A_632, %get3A_633] {strides = array<i32>} : memref<16x128xf32, #tpu.memory_space<vmem>>, vector<16xf32>,
    %mul3A_635 = arith.mulf %get3A_634, %get3A_37 : vector<16xf32>
    %add3A_636 = arith.addf %add3A_628, %mul3A_635 : vector<16xf32>
    %mul3A_637 = arith.mulf %get3A_634, %get3A_634 : vector<16xf32>
    %add3A_638 = arith.addf %add3A_630, %mul3A_637 : vector<16xf32>
    %get3A_639 = arith.constant 7 : i32
    %get3A_640 = arith.index_cast %get3A_639 : i32 to index
    %get3A_641 = arith.constant 48 : index
    %get3A_642 = tpu.vector_load %arg10[%get3A_640, %get3A_641] {strides = array<i32>} : memref<16x128xf32, #tpu.memory_space<vmem>>, vector<16xf32>,
    %mul3A_643 = arith.mulf %get3A_642, %get3A_41 : vector<16xf32>
    %add3A_644 = arith.addf %add3A_636, %mul3A_643 : vector<16xf32>
    %mul3A_645 = arith.mulf %get3A_642, %get3A_642 : vector<16xf32>
    %add3A_646 = arith.addf %add3A_638, %mul3A_645 : vector<16xf32>
    %get3A_647 = arith.constant 7 : i32
    %get3A_648 = arith.index_cast %get3A_647 : i32 to index
    %get3A_649 = arith.constant 64 : index
    %get3A_650 = tpu.vector_load %arg10[%get3A_648, %get3A_649] {strides = array<i32>} : memref<16x128xf32, #tpu.memory_space<vmem>>, vector<16xf32>,
    %mul3A_651 = arith.mulf %get3A_650, %get3A_45 : vector<16xf32>
    %add3A_652 = arith.addf %add3A_644, %mul3A_651 : vector<16xf32>
    %mul3A_653 = arith.mulf %get3A_650, %get3A_650 : vector<16xf32>
    %add3A_654 = arith.addf %add3A_646, %mul3A_653 : vector<16xf32>
    %get3A_655 = arith.constant 7 : i32
    %get3A_656 = arith.index_cast %get3A_655 : i32 to index
    %get3A_657 = arith.constant 80 : index
    %get3A_658 = tpu.vector_load %arg10[%get3A_656, %get3A_657] {strides = array<i32>} : memref<16x128xf32, #tpu.memory_space<vmem>>, vector<16xf32>,
    %mul3A_659 = arith.mulf %get3A_658, %get3A_49 : vector<16xf32>
    %add3A_660 = arith.addf %add3A_652, %mul3A_659 : vector<16xf32>
    %mul3A_661 = arith.mulf %get3A_658, %get3A_658 : vector<16xf32>
    %add3A_662 = arith.addf %add3A_654, %mul3A_661 : vector<16xf32>
    %get3A_663 = arith.constant 7 : i32
    %get3A_664 = arith.index_cast %get3A_663 : i32 to index
    %get3A_665 = arith.constant 96 : index
    %get3A_666 = tpu.vector_load %arg10[%get3A_664, %get3A_665] {strides = array<i32>} : memref<16x128xf32, #tpu.memory_space<vmem>>, vector<16xf32>,
    %mul3A_667 = arith.mulf %get3A_666, %get3A_53 : vector<16xf32>
    %add3A_668 = arith.addf %add3A_660, %mul3A_667 : vector<16xf32>
    %mul3A_669 = arith.mulf %get3A_666, %get3A_666 : vector<16xf32>
    %add3A_670 = arith.addf %add3A_662, %mul3A_669 : vector<16xf32>
    %get3A_671 = arith.constant 7 : i32
    %get3A_672 = arith.index_cast %get3A_671 : i32 to index
    %get3A_673 = arith.constant 112 : index
    %get3A_674 = tpu.vector_load %arg10[%get3A_672, %get3A_673] {strides = array<i32>} : memref<16x128xf32, #tpu.memory_space<vmem>>, vector<16xf32>,
    %mul3A_675 = arith.mulf %get3A_674, %get3A_57 : vector<16xf32>
    %add3A_676 = arith.addf %add3A_668, %mul3A_675 : vector<16xf32>
    %mul3A_677 = arith.mulf %get3A_674, %get3A_674 : vector<16xf32>
    %add3A_678 = arith.addf %add3A_670, %mul3A_677 : vector<16xf32>
    %eq3A_679 = arith.constant 7 : i32
    %eq3A_680 = vector.broadcast %eq3A_679 : i32 to vector<16xi32>
    %eq3A_681 = arith.cmpi eq, %iota3A, %eq3A_680 : vector<16xi32>
    %reduce_sum3A_682 = arith.constant true
    %reduce_sum3A_683 = vector.broadcast %reduce_sum3A_682 : i1 to vector<16xi1>
    %reduce_sum3A_684 = tpu.scan <sum>, %add3A_676 masked %reduce_sum3A_683 : vector<16xf32>, vector<16xi1> -> vector<16xf32>
    %reduce_sum3A_685 = vector.extract %reduce_sum3A_684[15] : f32 from vector<16xf32>
    %broadcast_in_dim3A_686 = vector.broadcast %reduce_sum3A_685 : f32 to vector<16xf32>
    %select_n3A_687 = arith.select %eq3A_681, %broadcast_in_dim3A_686, %select_n3A_610 : vector<16xi1>, vector<16xf32>
    %reduce_sum3A_688 = arith.constant true
    %reduce_sum3A_689 = vector.broadcast %reduce_sum3A_688 : i1 to vector<16xi1>
    %reduce_sum3A_690 = tpu.scan <sum>, %add3A_678 masked %reduce_sum3A_689 : vector<16xf32>, vector<16xi1> -> vector<16xf32>
    %reduce_sum3A_691 = vector.extract %reduce_sum3A_690[15] : f32 from vector<16xf32>
    %broadcast_in_dim3A_692 = vector.broadcast %reduce_sum3A_691 : f32 to vector<16xf32>
    %select_n3A_693 = arith.select %eq3A_681, %broadcast_in_dim3A_692, %select_n3A_616 : vector<16xi1>, vector<16xf32>
    %get3A_694 = arith.constant 8 : i32
    %get3A_695 = arith.index_cast %get3A_694 : i32 to index
    %get3A_696 = arith.constant 0 : index
    %get3A_697 = tpu.vector_load %arg10[%get3A_695, %get3A_696] {strides = array<i32>} : memref<16x128xf32, #tpu.memory_space<vmem>>, vector<16xf32>,
    %mul3A_698 = arith.mulf %get3A_697, %get3A_29 : vector<16xf32>
    %mul3A_699 = arith.mulf %get3A_697, %get3A_697 : vector<16xf32>
    %get3A_700 = arith.constant 8 : i32
    %get3A_701 = arith.index_cast %get3A_700 : i32 to index
    %get3A_702 = arith.constant 16 : index
    %get3A_703 = tpu.vector_load %arg10[%get3A_701, %get3A_702] {strides = array<i32>} : memref<16x128xf32, #tpu.memory_space<vmem>>, vector<16xf32>,
    %mul3A_704 = arith.mulf %get3A_703, %get3A_33 : vector<16xf32>
    %add3A_705 = arith.addf %mul3A_698, %mul3A_704 : vector<16xf32>
    %mul3A_706 = arith.mulf %get3A_703, %get3A_703 : vector<16xf32>
    %add3A_707 = arith.addf %mul3A_699, %mul3A_706 : vector<16xf32>
    %get3A_708 = arith.constant 8 : i32
    %get3A_709 = arith.index_cast %get3A_708 : i32 to index
    %get3A_710 = arith.constant 32 : index
    %get3A_711 = tpu.vector_load %arg10[%get3A_709, %get3A_710] {strides = array<i32>} : memref<16x128xf32, #tpu.memory_space<vmem>>, vector<16xf32>,
    %mul3A_712 = arith.mulf %get3A_711, %get3A_37 : vector<16xf32>
    %add3A_713 = arith.addf %add3A_705, %mul3A_712 : vector<16xf32>
    %mul3A_714 = arith.mulf %get3A_711, %get3A_711 : vector<16xf32>
    %add3A_715 = arith.addf %add3A_707, %mul3A_714 : vector<16xf32>
    %get3A_716 = arith.constant 8 : i32
    %get3A_717 = arith.index_cast %get3A_716 : i32 to index
    %get3A_718 = arith.constant 48 : index
    %get3A_719 = tpu.vector_load %arg10[%get3A_717, %get3A_718] {strides = array<i32>} : memref<16x128xf32, #tpu.memory_space<vmem>>, vector<16xf32>,
    %mul3A_720 = arith.mulf %get3A_719, %get3A_41 : vector<16xf32>
    %add3A_721 = arith.addf %add3A_713, %mul3A_720 : vector<16xf32>
    %mul3A_722 = arith.mulf %get3A_719, %get3A_719 : vector<16xf32>
    %add3A_723 = arith.addf %add3A_715, %mul3A_722 : vector<16xf32>
    %get3A_724 = arith.constant 8 : i32
    %get3A_725 = arith.index_cast %get3A_724 : i32 to index
    %get3A_726 = arith.constant 64 : index
    %get3A_727 = tpu.vector_load %arg10[%get3A_725, %get3A_726] {strides = array<i32>} : memref<16x128xf32, #tpu.memory_space<vmem>>, vector<16xf32>,
    %mul3A_728 = arith.mulf %get3A_727, %get3A_45 : vector<16xf32>
    %add3A_729 = arith.addf %add3A_721, %mul3A_728 : vector<16xf32>
    %mul3A_730 = arith.mulf %get3A_727, %get3A_727 : vector<16xf32>
    %add3A_731 = arith.addf %add3A_723, %mul3A_730 : vector<16xf32>
    %get3A_732 = arith.constant 8 : i32
    %get3A_733 = arith.index_cast %get3A_732 : i32 to index
    %get3A_734 = arith.constant 80 : index
    %get3A_735 = tpu.vector_load %arg10[%get3A_733, %get3A_734] {strides = array<i32>} : memref<16x128xf32, #tpu.memory_space<vmem>>, vector<16xf32>,
    %mul3A_736 = arith.mulf %get3A_735, %get3A_49 : vector<16xf32>
    %add3A_737 = arith.addf %add3A_729, %mul3A_736 : vector<16xf32>
    %mul3A_738 = arith.mulf %get3A_735, %get3A_735 : vector<16xf32>
    %add3A_739 = arith.addf %add3A_731, %mul3A_738 : vector<16xf32>
    %get3A_740 = arith.constant 8 : i32
    %get3A_741 = arith.index_cast %get3A_740 : i32 to index
    %get3A_742 = arith.constant 96 : index
    %get3A_743 = tpu.vector_load %arg10[%get3A_741, %get3A_742] {strides = array<i32>} : memref<16x128xf32, #tpu.memory_space<vmem>>, vector<16xf32>,
    %mul3A_744 = arith.mulf %get3A_743, %get3A_53 : vector<16xf32>
    %add3A_745 = arith.addf %add3A_737, %mul3A_744 : vector<16xf32>
    %mul3A_746 = arith.mulf %get3A_743, %get3A_743 : vector<16xf32>
    %add3A_747 = arith.addf %add3A_739, %mul3A_746 : vector<16xf32>
    %get3A_748 = arith.constant 8 : i32
    %get3A_749 = arith.index_cast %get3A_748 : i32 to index
    %get3A_750 = arith.constant 112 : index
    %get3A_751 = tpu.vector_load %arg10[%get3A_749, %get3A_750] {strides = array<i32>} : memref<16x128xf32, #tpu.memory_space<vmem>>, vector<16xf32>,
    %mul3A_752 = arith.mulf %get3A_751, %get3A_57 : vector<16xf32>
    %add3A_753 = arith.addf %add3A_745, %mul3A_752 : vector<16xf32>
    %mul3A_754 = arith.mulf %get3A_751, %get3A_751 : vector<16xf32>
    %add3A_755 = arith.addf %add3A_747, %mul3A_754 : vector<16xf32>
    %eq3A_756 = arith.constant 8 : i32
    %eq3A_757 = vector.broadcast %eq3A_756 : i32 to vector<16xi32>
    %eq3A_758 = arith.cmpi eq, %iota3A, %eq3A_757 : vector<16xi32>
    %reduce_sum3A_759 = arith.constant true
    %reduce_sum3A_760 = vector.broadcast %reduce_sum3A_759 : i1 to vector<16xi1>
    %reduce_sum3A_761 = tpu.scan <sum>, %add3A_753 masked %reduce_sum3A_760 : vector<16xf32>, vector<16xi1> -> vector<16xf32>
    %reduce_sum3A_762 = vector.extract %reduce_sum3A_761[15] : f32 from vector<16xf32>
    %broadcast_in_dim3A_763 = vector.broadcast %reduce_sum3A_762 : f32 to vector<16xf32>
    %select_n3A_764 = arith.select %eq3A_758, %broadcast_in_dim3A_763, %select_n3A_687 : vector<16xi1>, vector<16xf32>
    %reduce_sum3A_765 = arith.constant true
    %reduce_sum3A_766 = vector.broadcast %reduce_sum3A_765 : i1 to vector<16xi1>
    %reduce_sum3A_767 = tpu.scan <sum>, %add3A_755 masked %reduce_sum3A_766 : vector<16xf32>, vector<16xi1> -> vector<16xf32>
    %reduce_sum3A_768 = vector.extract %reduce_sum3A_767[15] : f32 from vector<16xf32>
    %broadcast_in_dim3A_769 = vector.broadcast %reduce_sum3A_768 : f32 to vector<16xf32>
    %select_n3A_770 = arith.select %eq3A_758, %broadcast_in_dim3A_769, %select_n3A_693 : vector<16xi1>, vector<16xf32>
    %get3A_771 = arith.constant 9 : i32
    %get3A_772 = arith.index_cast %get3A_771 : i32 to index
    %get3A_773 = arith.constant 0 : index
    %get3A_774 = tpu.vector_load %arg10[%get3A_772, %get3A_773] {strides = array<i32>} : memref<16x128xf32, #tpu.memory_space<vmem>>, vector<16xf32>,
    %mul3A_775 = arith.mulf %get3A_774, %get3A_29 : vector<16xf32>
    %mul3A_776 = arith.mulf %get3A_774, %get3A_774 : vector<16xf32>
    %get3A_777 = arith.constant 9 : i32
    %get3A_778 = arith.index_cast %get3A_777 : i32 to index
    %get3A_779 = arith.constant 16 : index
    %get3A_780 = tpu.vector_load %arg10[%get3A_778, %get3A_779] {strides = array<i32>} : memref<16x128xf32, #tpu.memory_space<vmem>>, vector<16xf32>,
    %mul3A_781 = arith.mulf %get3A_780, %get3A_33 : vector<16xf32>
    %add3A_782 = arith.addf %mul3A_775, %mul3A_781 : vector<16xf32>
    %mul3A_783 = arith.mulf %get3A_780, %get3A_780 : vector<16xf32>
    %add3A_784 = arith.addf %mul3A_776, %mul3A_783 : vector<16xf32>
    %get3A_785 = arith.constant 9 : i32
    %get3A_786 = arith.index_cast %get3A_785 : i32 to index
    %get3A_787 = arith.constant 32 : index
    %get3A_788 = tpu.vector_load %arg10[%get3A_786, %get3A_787] {strides = array<i32>} : memref<16x128xf32, #tpu.memory_space<vmem>>, vector<16xf32>,
    %mul3A_789 = arith.mulf %get3A_788, %get3A_37 : vector<16xf32>
    %add3A_790 = arith.addf %add3A_782, %mul3A_789 : vector<16xf32>
    %mul3A_791 = arith.mulf %get3A_788, %get3A_788 : vector<16xf32>
    %add3A_792 = arith.addf %add3A_784, %mul3A_791 : vector<16xf32>
    %get3A_793 = arith.constant 9 : i32
    %get3A_794 = arith.index_cast %get3A_793 : i32 to index
    %get3A_795 = arith.constant 48 : index
    %get3A_796 = tpu.vector_load %arg10[%get3A_794, %get3A_795] {strides = array<i32>} : memref<16x128xf32, #tpu.memory_space<vmem>>, vector<16xf32>,
    %mul3A_797 = arith.mulf %get3A_796, %get3A_41 : vector<16xf32>
    %add3A_798 = arith.addf %add3A_790, %mul3A_797 : vector<16xf32>
    %mul3A_799 = arith.mulf %get3A_796, %get3A_796 : vector<16xf32>
    %add3A_800 = arith.addf %add3A_792, %mul3A_799 : vector<16xf32>
    %get3A_801 = arith.constant 9 : i32
    %get3A_802 = arith.index_cast %get3A_801 : i32 to index
    %get3A_803 = arith.constant 64 : index
    %get3A_804 = tpu.vector_load %arg10[%get3A_802, %get3A_803] {strides = array<i32>} : memref<16x128xf32, #tpu.memory_space<vmem>>, vector<16xf32>,
    %mul3A_805 = arith.mulf %get3A_804, %get3A_45 : vector<16xf32>
    %add3A_806 = arith.addf %add3A_798, %mul3A_805 : vector<16xf32>
    %mul3A_807 = arith.mulf %get3A_804, %get3A_804 : vector<16xf32>
    %add3A_808 = arith.addf %add3A_800, %mul3A_807 : vector<16xf32>
    %get3A_809 = arith.constant 9 : i32
    %get3A_810 = arith.index_cast %get3A_809 : i32 to index
    %get3A_811 = arith.constant 80 : index
    %get3A_812 = tpu.vector_load %arg10[%get3A_810, %get3A_811] {strides = array<i32>} : memref<16x128xf32, #tpu.memory_space<vmem>>, vector<16xf32>,
    %mul3A_813 = arith.mulf %get3A_812, %get3A_49 : vector<16xf32>
    %add3A_814 = arith.addf %add3A_806, %mul3A_813 : vector<16xf32>
    %mul3A_815 = arith.mulf %get3A_812, %get3A_812 : vector<16xf32>
    %add3A_816 = arith.addf %add3A_808, %mul3A_815 : vector<16xf32>
    %get3A_817 = arith.constant 9 : i32
    %get3A_818 = arith.index_cast %get3A_817 : i32 to index
    %get3A_819 = arith.constant 96 : index
    %get3A_820 = tpu.vector_load %arg10[%get3A_818, %get3A_819] {strides = array<i32>} : memref<16x128xf32, #tpu.memory_space<vmem>>, vector<16xf32>,
    %mul3A_821 = arith.mulf %get3A_820, %get3A_53 : vector<16xf32>
    %add3A_822 = arith.addf %add3A_814, %mul3A_821 : vector<16xf32>
    %mul3A_823 = arith.mulf %get3A_820, %get3A_820 : vector<16xf32>
    %add3A_824 = arith.addf %add3A_816, %mul3A_823 : vector<16xf32>
    %get3A_825 = arith.constant 9 : i32
    %get3A_826 = arith.index_cast %get3A_825 : i32 to index
    %get3A_827 = arith.constant 112 : index
    %get3A_828 = tpu.vector_load %arg10[%get3A_826, %get3A_827] {strides = array<i32>} : memref<16x128xf32, #tpu.memory_space<vmem>>, vector<16xf32>,
    %mul3A_829 = arith.mulf %get3A_828, %get3A_57 : vector<16xf32>
    %add3A_830 = arith.addf %add3A_822, %mul3A_829 : vector<16xf32>
    %mul3A_831 = arith.mulf %get3A_828, %get3A_828 : vector<16xf32>
    %add3A_832 = arith.addf %add3A_824, %mul3A_831 : vector<16xf32>
    %eq3A_833 = arith.constant 9 : i32
    %eq3A_834 = vector.broadcast %eq3A_833 : i32 to vector<16xi32>
    %eq3A_835 = arith.cmpi eq, %iota3A, %eq3A_834 : vector<16xi32>
    %reduce_sum3A_836 = arith.constant true
    %reduce_sum3A_837 = vector.broadcast %reduce_sum3A_836 : i1 to vector<16xi1>
    %reduce_sum3A_838 = tpu.scan <sum>, %add3A_830 masked %reduce_sum3A_837 : vector<16xf32>, vector<16xi1> -> vector<16xf32>
    %reduce_sum3A_839 = vector.extract %reduce_sum3A_838[15] : f32 from vector<16xf32>
    %broadcast_in_dim3A_840 = vector.broadcast %reduce_sum3A_839 : f32 to vector<16xf32>
    %select_n3A_841 = arith.select %eq3A_835, %broadcast_in_dim3A_840, %select_n3A_764 : vector<16xi1>, vector<16xf32>
    %reduce_sum3A_842 = arith.constant true
    %reduce_sum3A_843 = vector.broadcast %reduce_sum3A_842 : i1 to vector<16xi1>
    %reduce_sum3A_844 = tpu.scan <sum>, %add3A_832 masked %reduce_sum3A_843 : vector<16xf32>, vector<16xi1> -> vector<16xf32>
    %reduce_sum3A_845 = vector.extract %reduce_sum3A_844[15] : f32 from vector<16xf32>
    %broadcast_in_dim3A_846 = vector.broadcast %reduce_sum3A_845 : f32 to vector<16xf32>
    %select_n3A_847 = arith.select %eq3A_835, %broadcast_in_dim3A_846, %select_n3A_770 : vector<16xi1>, vector<16xf32>
    %get3A_848 = arith.constant 10 : i32
    %get3A_849 = arith.index_cast %get3A_848 : i32 to index
    %get3A_850 = arith.constant 0 : index
    %get3A_851 = tpu.vector_load %arg10[%get3A_849, %get3A_850] {strides = array<i32>} : memref<16x128xf32, #tpu.memory_space<vmem>>, vector<16xf32>,
    %mul3A_852 = arith.mulf %get3A_851, %get3A_29 : vector<16xf32>
    %mul3A_853 = arith.mulf %get3A_851, %get3A_851 : vector<16xf32>
    %get3A_854 = arith.constant 10 : i32
    %get3A_855 = arith.index_cast %get3A_854 : i32 to index
    %get3A_856 = arith.constant 16 : index
    %get3A_857 = tpu.vector_load %arg10[%get3A_855, %get3A_856] {strides = array<i32>} : memref<16x128xf32, #tpu.memory_space<vmem>>, vector<16xf32>,
    %mul3A_858 = arith.mulf %get3A_857, %get3A_33 : vector<16xf32>
    %add3A_859 = arith.addf %mul3A_852, %mul3A_858 : vector<16xf32>
    %mul3A_860 = arith.mulf %get3A_857, %get3A_857 : vector<16xf32>
    %add3A_861 = arith.addf %mul3A_853, %mul3A_860 : vector<16xf32>
    %get3A_862 = arith.constant 10 : i32
    %get3A_863 = arith.index_cast %get3A_862 : i32 to index
    %get3A_864 = arith.constant 32 : index
    %get3A_865 = tpu.vector_load %arg10[%get3A_863, %get3A_864] {strides = array<i32>} : memref<16x128xf32, #tpu.memory_space<vmem>>, vector<16xf32>,
    %mul3A_866 = arith.mulf %get3A_865, %get3A_37 : vector<16xf32>
    %add3A_867 = arith.addf %add3A_859, %mul3A_866 : vector<16xf32>
    %mul3A_868 = arith.mulf %get3A_865, %get3A_865 : vector<16xf32>
    %add3A_869 = arith.addf %add3A_861, %mul3A_868 : vector<16xf32>
    %get3A_870 = arith.constant 10 : i32
    %get3A_871 = arith.index_cast %get3A_870 : i32 to index
    %get3A_872 = arith.constant 48 : index
    %get3A_873 = tpu.vector_load %arg10[%get3A_871, %get3A_872] {strides = array<i32>} : memref<16x128xf32, #tpu.memory_space<vmem>>, vector<16xf32>,
    %mul3A_874 = arith.mulf %get3A_873, %get3A_41 : vector<16xf32>
    %add3A_875 = arith.addf %add3A_867, %mul3A_874 : vector<16xf32>
    %mul3A_876 = arith.mulf %get3A_873, %get3A_873 : vector<16xf32>
    %add3A_877 = arith.addf %add3A_869, %mul3A_876 : vector<16xf32>
    %get3A_878 = arith.constant 10 : i32
    %get3A_879 = arith.index_cast %get3A_878 : i32 to index
    %get3A_880 = arith.constant 64 : index
    %get3A_881 = tpu.vector_load %arg10[%get3A_879, %get3A_880] {strides = array<i32>} : memref<16x128xf32, #tpu.memory_space<vmem>>, vector<16xf32>,
    %mul3A_882 = arith.mulf %get3A_881, %get3A_45 : vector<16xf32>
    %add3A_883 = arith.addf %add3A_875, %mul3A_882 : vector<16xf32>
    %mul3A_884 = arith.mulf %get3A_881, %get3A_881 : vector<16xf32>
    %add3A_885 = arith.addf %add3A_877, %mul3A_884 : vector<16xf32>
    %get3A_886 = arith.constant 10 : i32
    %get3A_887 = arith.index_cast %get3A_886 : i32 to index
    %get3A_888 = arith.constant 80 : index
    %get3A_889 = tpu.vector_load %arg10[%get3A_887, %get3A_888] {strides = array<i32>} : memref<16x128xf32, #tpu.memory_space<vmem>>, vector<16xf32>,
    %mul3A_890 = arith.mulf %get3A_889, %get3A_49 : vector<16xf32>
    %add3A_891 = arith.addf %add3A_883, %mul3A_890 : vector<16xf32>
    %mul3A_892 = arith.mulf %get3A_889, %get3A_889 : vector<16xf32>
    %add3A_893 = arith.addf %add3A_885, %mul3A_892 : vector<16xf32>
    %get3A_894 = arith.constant 10 : i32
    %get3A_895 = arith.index_cast %get3A_894 : i32 to index
    %get3A_896 = arith.constant 96 : index
    %get3A_897 = tpu.vector_load %arg10[%get3A_895, %get3A_896] {strides = array<i32>} : memref<16x128xf32, #tpu.memory_space<vmem>>, vector<16xf32>,
    %mul3A_898 = arith.mulf %get3A_897, %get3A_53 : vector<16xf32>
    %add3A_899 = arith.addf %add3A_891, %mul3A_898 : vector<16xf32>
    %mul3A_900 = arith.mulf %get3A_897, %get3A_897 : vector<16xf32>
    %add3A_901 = arith.addf %add3A_893, %mul3A_900 : vector<16xf32>
    %get3A_902 = arith.constant 10 : i32
    %get3A_903 = arith.index_cast %get3A_902 : i32 to index
    %get3A_904 = arith.constant 112 : index
    %get3A_905 = tpu.vector_load %arg10[%get3A_903, %get3A_904] {strides = array<i32>} : memref<16x128xf32, #tpu.memory_space<vmem>>, vector<16xf32>,
    %mul3A_906 = arith.mulf %get3A_905, %get3A_57 : vector<16xf32>
    %add3A_907 = arith.addf %add3A_899, %mul3A_906 : vector<16xf32>
    %mul3A_908 = arith.mulf %get3A_905, %get3A_905 : vector<16xf32>
    %add3A_909 = arith.addf %add3A_901, %mul3A_908 : vector<16xf32>
    %eq3A_910 = arith.constant 10 : i32
    %eq3A_911 = vector.broadcast %eq3A_910 : i32 to vector<16xi32>
    %eq3A_912 = arith.cmpi eq, %iota3A, %eq3A_911 : vector<16xi32>
    %reduce_sum3A_913 = arith.constant true
    %reduce_sum3A_914 = vector.broadcast %reduce_sum3A_913 : i1 to vector<16xi1>
    %reduce_sum3A_915 = tpu.scan <sum>, %add3A_907 masked %reduce_sum3A_914 : vector<16xf32>, vector<16xi1> -> vector<16xf32>
    %reduce_sum3A_916 = vector.extract %reduce_sum3A_915[15] : f32 from vector<16xf32>
    %broadcast_in_dim3A_917 = vector.broadcast %reduce_sum3A_916 : f32 to vector<16xf32>
    %select_n3A_918 = arith.select %eq3A_912, %broadcast_in_dim3A_917, %select_n3A_841 : vector<16xi1>, vector<16xf32>
    %reduce_sum3A_919 = arith.constant true
    %reduce_sum3A_920 = vector.broadcast %reduce_sum3A_919 : i1 to vector<16xi1>
    %reduce_sum3A_921 = tpu.scan <sum>, %add3A_909 masked %reduce_sum3A_920 : vector<16xf32>, vector<16xi1> -> vector<16xf32>
    %reduce_sum3A_922 = vector.extract %reduce_sum3A_921[15] : f32 from vector<16xf32>
    %broadcast_in_dim3A_923 = vector.broadcast %reduce_sum3A_922 : f32 to vector<16xf32>
    %select_n3A_924 = arith.select %eq3A_912, %broadcast_in_dim3A_923, %select_n3A_847 : vector<16xi1>, vector<16xf32>
    %get3A_925 = arith.constant 11 : i32
    %get3A_926 = arith.index_cast %get3A_925 : i32 to index
    %get3A_927 = arith.constant 0 : index
    %get3A_928 = tpu.vector_load %arg10[%get3A_926, %get3A_927] {strides = array<i32>} : memref<16x128xf32, #tpu.memory_space<vmem>>, vector<16xf32>,
    %mul3A_929 = arith.mulf %get3A_928, %get3A_29 : vector<16xf32>
    %mul3A_930 = arith.mulf %get3A_928, %get3A_928 : vector<16xf32>
    %get3A_931 = arith.constant 11 : i32
    %get3A_932 = arith.index_cast %get3A_931 : i32 to index
    %get3A_933 = arith.constant 16 : index
    %get3A_934 = tpu.vector_load %arg10[%get3A_932, %get3A_933] {strides = array<i32>} : memref<16x128xf32, #tpu.memory_space<vmem>>, vector<16xf32>,
    %mul3A_935 = arith.mulf %get3A_934, %get3A_33 : vector<16xf32>
    %add3A_936 = arith.addf %mul3A_929, %mul3A_935 : vector<16xf32>
    %mul3A_937 = arith.mulf %get3A_934, %get3A_934 : vector<16xf32>
    %add3A_938 = arith.addf %mul3A_930, %mul3A_937 : vector<16xf32>
    %get3A_939 = arith.constant 11 : i32
    %get3A_940 = arith.index_cast %get3A_939 : i32 to index
    %get3A_941 = arith.constant 32 : index
    %get3A_942 = tpu.vector_load %arg10[%get3A_940, %get3A_941] {strides = array<i32>} : memref<16x128xf32, #tpu.memory_space<vmem>>, vector<16xf32>,
    %mul3A_943 = arith.mulf %get3A_942, %get3A_37 : vector<16xf32>
    %add3A_944 = arith.addf %add3A_936, %mul3A_943 : vector<16xf32>
    %mul3A_945 = arith.mulf %get3A_942, %get3A_942 : vector<16xf32>
    %add3A_946 = arith.addf %add3A_938, %mul3A_945 : vector<16xf32>
    %get3A_947 = arith.constant 11 : i32
    %get3A_948 = arith.index_cast %get3A_947 : i32 to index
    %get3A_949 = arith.constant 48 : index
    %get3A_950 = tpu.vector_load %arg10[%get3A_948, %get3A_949] {strides = array<i32>} : memref<16x128xf32, #tpu.memory_space<vmem>>, vector<16xf32>,
    %mul3A_951 = arith.mulf %get3A_950, %get3A_41 : vector<16xf32>
    %add3A_952 = arith.addf %add3A_944, %mul3A_951 : vector<16xf32>
    %mul3A_953 = arith.mulf %get3A_950, %get3A_950 : vector<16xf32>
    %add3A_954 = arith.addf %add3A_946, %mul3A_953 : vector<16xf32>
    %get3A_955 = arith.constant 11 : i32
    %get3A_956 = arith.index_cast %get3A_955 : i32 to index
    %get3A_957 = arith.constant 64 : index
    %get3A_958 = tpu.vector_load %arg10[%get3A_956, %get3A_957] {strides = array<i32>} : memref<16x128xf32, #tpu.memory_space<vmem>>, vector<16xf32>,
    %mul3A_959 = arith.mulf %get3A_958, %get3A_45 : vector<16xf32>
    %add3A_960 = arith.addf %add3A_952, %mul3A_959 : vector<16xf32>
    %mul3A_961 = arith.mulf %get3A_958, %get3A_958 : vector<16xf32>
    %add3A_962 = arith.addf %add3A_954, %mul3A_961 : vector<16xf32>
    %get3A_963 = arith.constant 11 : i32
    %get3A_964 = arith.index_cast %get3A_963 : i32 to index
    %get3A_965 = arith.constant 80 : index
    %get3A_966 = tpu.vector_load %arg10[%get3A_964, %get3A_965] {strides = array<i32>} : memref<16x128xf32, #tpu.memory_space<vmem>>, vector<16xf32>,
    %mul3A_967 = arith.mulf %get3A_966, %get3A_49 : vector<16xf32>
    %add3A_968 = arith.addf %add3A_960, %mul3A_967 : vector<16xf32>
    %mul3A_969 = arith.mulf %get3A_966, %get3A_966 : vector<16xf32>
    %add3A_970 = arith.addf %add3A_962, %mul3A_969 : vector<16xf32>
    %get3A_971 = arith.constant 11 : i32
    %get3A_972 = arith.index_cast %get3A_971 : i32 to index
    %get3A_973 = arith.constant 96 : index
    %get3A_974 = tpu.vector_load %arg10[%get3A_972, %get3A_973] {strides = array<i32>} : memref<16x128xf32, #tpu.memory_space<vmem>>, vector<16xf32>,
    %mul3A_975 = arith.mulf %get3A_974, %get3A_53 : vector<16xf32>
    %add3A_976 = arith.addf %add3A_968, %mul3A_975 : vector<16xf32>
    %mul3A_977 = arith.mulf %get3A_974, %get3A_974 : vector<16xf32>
    %add3A_978 = arith.addf %add3A_970, %mul3A_977 : vector<16xf32>
    %get3A_979 = arith.constant 11 : i32
    %get3A_980 = arith.index_cast %get3A_979 : i32 to index
    %get3A_981 = arith.constant 112 : index
    %get3A_982 = tpu.vector_load %arg10[%get3A_980, %get3A_981] {strides = array<i32>} : memref<16x128xf32, #tpu.memory_space<vmem>>, vector<16xf32>,
    %mul3A_983 = arith.mulf %get3A_982, %get3A_57 : vector<16xf32>
    %add3A_984 = arith.addf %add3A_976, %mul3A_983 : vector<16xf32>
    %mul3A_985 = arith.mulf %get3A_982, %get3A_982 : vector<16xf32>
    %add3A_986 = arith.addf %add3A_978, %mul3A_985 : vector<16xf32>
    %eq3A_987 = arith.constant 11 : i32
    %eq3A_988 = vector.broadcast %eq3A_987 : i32 to vector<16xi32>
    %eq3A_989 = arith.cmpi eq, %iota3A, %eq3A_988 : vector<16xi32>
    %reduce_sum3A_990 = arith.constant true
    %reduce_sum3A_991 = vector.broadcast %reduce_sum3A_990 : i1 to vector<16xi1>
    %reduce_sum3A_992 = tpu.scan <sum>, %add3A_984 masked %reduce_sum3A_991 : vector<16xf32>, vector<16xi1> -> vector<16xf32>
    %reduce_sum3A_993 = vector.extract %reduce_sum3A_992[15] : f32 from vector<16xf32>
    %broadcast_in_dim3A_994 = vector.broadcast %reduce_sum3A_993 : f32 to vector<16xf32>
    %select_n3A_995 = arith.select %eq3A_989, %broadcast_in_dim3A_994, %select_n3A_918 : vector<16xi1>, vector<16xf32>
    %reduce_sum3A_996 = arith.constant true
    %reduce_sum3A_997 = vector.broadcast %reduce_sum3A_996 : i1 to vector<16xi1>
    %reduce_sum3A_998 = tpu.scan <sum>, %add3A_986 masked %reduce_sum3A_997 : vector<16xf32>, vector<16xi1> -> vector<16xf32>
    %reduce_sum3A_999 = vector.extract %reduce_sum3A_998[15] : f32 from vector<16xf32>
    %broadcast_in_dim3A_1000 = vector.broadcast %reduce_sum3A_999 : f32 to vector<16xf32>
    %select_n3A_1001 = arith.select %eq3A_989, %broadcast_in_dim3A_1000, %select_n3A_924 : vector<16xi1>, vector<16xf32>
    %get3A_1002 = arith.constant 12 : i32
    %get3A_1003 = arith.index_cast %get3A_1002 : i32 to index
    %get3A_1004 = arith.constant 0 : index
    %get3A_1005 = tpu.vector_load %arg10[%get3A_1003, %get3A_1004] {strides = array<i32>} : memref<16x128xf32, #tpu.memory_space<vmem>>, vector<16xf32>,
    %mul3A_1006 = arith.mulf %get3A_1005, %get3A_29 : vector<16xf32>
    %mul3A_1007 = arith.mulf %get3A_1005, %get3A_1005 : vector<16xf32>
    %get3A_1008 = arith.constant 12 : i32
    %get3A_1009 = arith.index_cast %get3A_1008 : i32 to index
    %get3A_1010 = arith.constant 16 : index
    %get3A_1011 = tpu.vector_load %arg10[%get3A_1009, %get3A_1010] {strides = array<i32>} : memref<16x128xf32, #tpu.memory_space<vmem>>, vector<16xf32>,
    %mul3A_1012 = arith.mulf %get3A_1011, %get3A_33 : vector<16xf32>
    %add3A_1013 = arith.addf %mul3A_1006, %mul3A_1012 : vector<16xf32>
    %mul3A_1014 = arith.mulf %get3A_1011, %get3A_1011 : vector<16xf32>
    %add3A_1015 = arith.addf %mul3A_1007, %mul3A_1014 : vector<16xf32>
    %get3A_1016 = arith.constant 12 : i32
    %get3A_1017 = arith.index_cast %get3A_1016 : i32 to index
    %get3A_1018 = arith.constant 32 : index
    %get3A_1019 = tpu.vector_load %arg10[%get3A_1017, %get3A_1018] {strides = array<i32>} : memref<16x128xf32, #tpu.memory_space<vmem>>, vector<16xf32>,
    %mul3A_1020 = arith.mulf %get3A_1019, %get3A_37 : vector<16xf32>
    %add3A_1021 = arith.addf %add3A_1013, %mul3A_1020 : vector<16xf32>
    %mul3A_1022 = arith.mulf %get3A_1019, %get3A_1019 : vector<16xf32>
    %add3A_1023 = arith.addf %add3A_1015, %mul3A_1022 : vector<16xf32>
    %get3A_1024 = arith.constant 12 : i32
    %get3A_1025 = arith.index_cast %get3A_1024 : i32 to index
    %get3A_1026 = arith.constant 48 : index
    %get3A_1027 = tpu.vector_load %arg10[%get3A_1025, %get3A_1026] {strides = array<i32>} : memref<16x128xf32, #tpu.memory_space<vmem>>, vector<16xf32>,
    %mul3A_1028 = arith.mulf %get3A_1027, %get3A_41 : vector<16xf32>
    %add3A_1029 = arith.addf %add3A_1021, %mul3A_1028 : vector<16xf32>
    %mul3A_1030 = arith.mulf %get3A_1027, %get3A_1027 : vector<16xf32>
    %add3A_1031 = arith.addf %add3A_1023, %mul3A_1030 : vector<16xf32>
    %get3A_1032 = arith.constant 12 : i32
    %get3A_1033 = arith.index_cast %get3A_1032 : i32 to index
    %get3A_1034 = arith.constant 64 : index
    %get3A_1035 = tpu.vector_load %arg10[%get3A_1033, %get3A_1034] {strides = array<i32>} : memref<16x128xf32, #tpu.memory_space<vmem>>, vector<16xf32>,
    %mul3A_1036 = arith.mulf %get3A_1035, %get3A_45 : vector<16xf32>
    %add3A_1037 = arith.addf %add3A_1029, %mul3A_1036 : vector<16xf32>
    %mul3A_1038 = arith.mulf %get3A_1035, %get3A_1035 : vector<16xf32>
    %add3A_1039 = arith.addf %add3A_1031, %mul3A_1038 : vector<16xf32>
    %get3A_1040 = arith.constant 12 : i32
    %get3A_1041 = arith.index_cast %get3A_1040 : i32 to index
    %get3A_1042 = arith.constant 80 : index
    %get3A_1043 = tpu.vector_load %arg10[%get3A_1041, %get3A_1042] {strides = array<i32>} : memref<16x128xf32, #tpu.memory_space<vmem>>, vector<16xf32>,
    %mul3A_1044 = arith.mulf %get3A_1043, %get3A_49 : vector<16xf32>
    %add3A_1045 = arith.addf %add3A_1037, %mul3A_1044 : vector<16xf32>
    %mul3A_1046 = arith.mulf %get3A_1043, %get3A_1043 : vector<16xf32>
    %add3A_1047 = arith.addf %add3A_1039, %mul3A_1046 : vector<16xf32>
    %get3A_1048 = arith.constant 12 : i32
    %get3A_1049 = arith.index_cast %get3A_1048 : i32 to index
    %get3A_1050 = arith.constant 96 : index
    %get3A_1051 = tpu.vector_load %arg10[%get3A_1049, %get3A_1050] {strides = array<i32>} : memref<16x128xf32, #tpu.memory_space<vmem>>, vector<16xf32>,
    %mul3A_1052 = arith.mulf %get3A_1051, %get3A_53 : vector<16xf32>
    %add3A_1053 = arith.addf %add3A_1045, %mul3A_1052 : vector<16xf32>
    %mul3A_1054 = arith.mulf %get3A_1051, %get3A_1051 : vector<16xf32>
    %add3A_1055 = arith.addf %add3A_1047, %mul3A_1054 : vector<16xf32>
    %get3A_1056 = arith.constant 12 : i32
    %get3A_1057 = arith.index_cast %get3A_1056 : i32 to index
    %get3A_1058 = arith.constant 112 : index
    %get3A_1059 = tpu.vector_load %arg10[%get3A_1057, %get3A_1058] {strides = array<i32>} : memref<16x128xf32, #tpu.memory_space<vmem>>, vector<16xf32>,
    %mul3A_1060 = arith.mulf %get3A_1059, %get3A_57 : vector<16xf32>
    %add3A_1061 = arith.addf %add3A_1053, %mul3A_1060 : vector<16xf32>
    %mul3A_1062 = arith.mulf %get3A_1059, %get3A_1059 : vector<16xf32>
    %add3A_1063 = arith.addf %add3A_1055, %mul3A_1062 : vector<16xf32>
    %eq3A_1064 = arith.constant 12 : i32
    %eq3A_1065 = vector.broadcast %eq3A_1064 : i32 to vector<16xi32>
    %eq3A_1066 = arith.cmpi eq, %iota3A, %eq3A_1065 : vector<16xi32>
    %reduce_sum3A_1067 = arith.constant true
    %reduce_sum3A_1068 = vector.broadcast %reduce_sum3A_1067 : i1 to vector<16xi1>
    %reduce_sum3A_1069 = tpu.scan <sum>, %add3A_1061 masked %reduce_sum3A_1068 : vector<16xf32>, vector<16xi1> -> vector<16xf32>
    %reduce_sum3A_1070 = vector.extract %reduce_sum3A_1069[15] : f32 from vector<16xf32>
    %broadcast_in_dim3A_1071 = vector.broadcast %reduce_sum3A_1070 : f32 to vector<16xf32>
    %select_n3A_1072 = arith.select %eq3A_1066, %broadcast_in_dim3A_1071, %select_n3A_995 : vector<16xi1>, vector<16xf32>
    %reduce_sum3A_1073 = arith.constant true
    %reduce_sum3A_1074 = vector.broadcast %reduce_sum3A_1073 : i1 to vector<16xi1>
    %reduce_sum3A_1075 = tpu.scan <sum>, %add3A_1063 masked %reduce_sum3A_1074 : vector<16xf32>, vector<16xi1> -> vector<16xf32>
    %reduce_sum3A_1076 = vector.extract %reduce_sum3A_1075[15] : f32 from vector<16xf32>
    %broadcast_in_dim3A_1077 = vector.broadcast %reduce_sum3A_1076 : f32 to vector<16xf32>
    %select_n3A_1078 = arith.select %eq3A_1066, %broadcast_in_dim3A_1077, %select_n3A_1001 : vector<16xi1>, vector<16xf32>
    %get3A_1079 = arith.constant 13 : i32
    %get3A_1080 = arith.index_cast %get3A_1079 : i32 to index
    %get3A_1081 = arith.constant 0 : index
    %get3A_1082 = tpu.vector_load %arg10[%get3A_1080, %get3A_1081] {strides = array<i32>} : memref<16x128xf32, #tpu.memory_space<vmem>>, vector<16xf32>,
    %mul3A_1083 = arith.mulf %get3A_1082, %get3A_29 : vector<16xf32>
    %mul3A_1084 = arith.mulf %get3A_1082, %get3A_1082 : vector<16xf32>
    %get3A_1085 = arith.constant 13 : i32
    %get3A_1086 = arith.index_cast %get3A_1085 : i32 to index
    %get3A_1087 = arith.constant 16 : index
    %get3A_1088 = tpu.vector_load %arg10[%get3A_1086, %get3A_1087] {strides = array<i32>} : memref<16x128xf32, #tpu.memory_space<vmem>>, vector<16xf32>,
    %mul3A_1089 = arith.mulf %get3A_1088, %get3A_33 : vector<16xf32>
    %add3A_1090 = arith.addf %mul3A_1083, %mul3A_1089 : vector<16xf32>
    %mul3A_1091 = arith.mulf %get3A_1088, %get3A_1088 : vector<16xf32>
    %add3A_1092 = arith.addf %mul3A_1084, %mul3A_1091 : vector<16xf32>
    %get3A_1093 = arith.constant 13 : i32
    %get3A_1094 = arith.index_cast %get3A_1093 : i32 to index
    %get3A_1095 = arith.constant 32 : index
    %get3A_1096 = tpu.vector_load %arg10[%get3A_1094, %get3A_1095] {strides = array<i32>} : memref<16x128xf32, #tpu.memory_space<vmem>>, vector<16xf32>,
    %mul3A_1097 = arith.mulf %get3A_1096, %get3A_37 : vector<16xf32>
    %add3A_1098 = arith.addf %add3A_1090, %mul3A_1097 : vector<16xf32>
    %mul3A_1099 = arith.mulf %get3A_1096, %get3A_1096 : vector<16xf32>
    %add3A_1100 = arith.addf %add3A_1092, %mul3A_1099 : vector<16xf32>
    %get3A_1101 = arith.constant 13 : i32
    %get3A_1102 = arith.index_cast %get3A_1101 : i32 to index
    %get3A_1103 = arith.constant 48 : index
    %get3A_1104 = tpu.vector_load %arg10[%get3A_1102, %get3A_1103] {strides = array<i32>} : memref<16x128xf32, #tpu.memory_space<vmem>>, vector<16xf32>,
    %mul3A_1105 = arith.mulf %get3A_1104, %get3A_41 : vector<16xf32>
    %add3A_1106 = arith.addf %add3A_1098, %mul3A_1105 : vector<16xf32>
    %mul3A_1107 = arith.mulf %get3A_1104, %get3A_1104 : vector<16xf32>
    %add3A_1108 = arith.addf %add3A_1100, %mul3A_1107 : vector<16xf32>
    %get3A_1109 = arith.constant 13 : i32
    %get3A_1110 = arith.index_cast %get3A_1109 : i32 to index
    %get3A_1111 = arith.constant 64 : index
    %get3A_1112 = tpu.vector_load %arg10[%get3A_1110, %get3A_1111] {strides = array<i32>} : memref<16x128xf32, #tpu.memory_space<vmem>>, vector<16xf32>,
    %mul3A_1113 = arith.mulf %get3A_1112, %get3A_45 : vector<16xf32>
    %add3A_1114 = arith.addf %add3A_1106, %mul3A_1113 : vector<16xf32>
    %mul3A_1115 = arith.mulf %get3A_1112, %get3A_1112 : vector<16xf32>
    %add3A_1116 = arith.addf %add3A_1108, %mul3A_1115 : vector<16xf32>
    %get3A_1117 = arith.constant 13 : i32
    %get3A_1118 = arith.index_cast %get3A_1117 : i32 to index
    %get3A_1119 = arith.constant 80 : index
    %get3A_1120 = tpu.vector_load %arg10[%get3A_1118, %get3A_1119] {strides = array<i32>} : memref<16x128xf32, #tpu.memory_space<vmem>>, vector<16xf32>,
    %mul3A_1121 = arith.mulf %get3A_1120, %get3A_49 : vector<16xf32>
    %add3A_1122 = arith.addf %add3A_1114, %mul3A_1121 : vector<16xf32>
    %mul3A_1123 = arith.mulf %get3A_1120, %get3A_1120 : vector<16xf32>
    %add3A_1124 = arith.addf %add3A_1116, %mul3A_1123 : vector<16xf32>
    %get3A_1125 = arith.constant 13 : i32
    %get3A_1126 = arith.index_cast %get3A_1125 : i32 to index
    %get3A_1127 = arith.constant 96 : index
    %get3A_1128 = tpu.vector_load %arg10[%get3A_1126, %get3A_1127] {strides = array<i32>} : memref<16x128xf32, #tpu.memory_space<vmem>>, vector<16xf32>,
    %mul3A_1129 = arith.mulf %get3A_1128, %get3A_53 : vector<16xf32>
    %add3A_1130 = arith.addf %add3A_1122, %mul3A_1129 : vector<16xf32>
    %mul3A_1131 = arith.mulf %get3A_1128, %get3A_1128 : vector<16xf32>
    %add3A_1132 = arith.addf %add3A_1124, %mul3A_1131 : vector<16xf32>
    %get3A_1133 = arith.constant 13 : i32
    %get3A_1134 = arith.index_cast %get3A_1133 : i32 to index
    %get3A_1135 = arith.constant 112 : index
    %get3A_1136 = tpu.vector_load %arg10[%get3A_1134, %get3A_1135] {strides = array<i32>} : memref<16x128xf32, #tpu.memory_space<vmem>>, vector<16xf32>,
    %mul3A_1137 = arith.mulf %get3A_1136, %get3A_57 : vector<16xf32>
    %add3A_1138 = arith.addf %add3A_1130, %mul3A_1137 : vector<16xf32>
    %mul3A_1139 = arith.mulf %get3A_1136, %get3A_1136 : vector<16xf32>
    %add3A_1140 = arith.addf %add3A_1132, %mul3A_1139 : vector<16xf32>
    %eq3A_1141 = arith.constant 13 : i32
    %eq3A_1142 = vector.broadcast %eq3A_1141 : i32 to vector<16xi32>
    %eq3A_1143 = arith.cmpi eq, %iota3A, %eq3A_1142 : vector<16xi32>
    %reduce_sum3A_1144 = arith.constant true
    %reduce_sum3A_1145 = vector.broadcast %reduce_sum3A_1144 : i1 to vector<16xi1>
    %reduce_sum3A_1146 = tpu.scan <sum>, %add3A_1138 masked %reduce_sum3A_1145 : vector<16xf32>, vector<16xi1> -> vector<16xf32>
    %reduce_sum3A_1147 = vector.extract %reduce_sum3A_1146[15] : f32 from vector<16xf32>
    %broadcast_in_dim3A_1148 = vector.broadcast %reduce_sum3A_1147 : f32 to vector<16xf32>
    %select_n3A_1149 = arith.select %eq3A_1143, %broadcast_in_dim3A_1148, %select_n3A_1072 : vector<16xi1>, vector<16xf32>
    %reduce_sum3A_1150 = arith.constant true
    %reduce_sum3A_1151 = vector.broadcast %reduce_sum3A_1150 : i1 to vector<16xi1>
    %reduce_sum3A_1152 = tpu.scan <sum>, %add3A_1140 masked %reduce_sum3A_1151 : vector<16xf32>, vector<16xi1> -> vector<16xf32>
    %reduce_sum3A_1153 = vector.extract %reduce_sum3A_1152[15] : f32 from vector<16xf32>
    %broadcast_in_dim3A_1154 = vector.broadcast %reduce_sum3A_1153 : f32 to vector<16xf32>
    %select_n3A_1155 = arith.select %eq3A_1143, %broadcast_in_dim3A_1154, %select_n3A_1078 : vector<16xi1>, vector<16xf32>
    %get3A_1156 = arith.constant 14 : i32
    %get3A_1157 = arith.index_cast %get3A_1156 : i32 to index
    %get3A_1158 = arith.constant 0 : index
    %get3A_1159 = tpu.vector_load %arg10[%get3A_1157, %get3A_1158] {strides = array<i32>} : memref<16x128xf32, #tpu.memory_space<vmem>>, vector<16xf32>,
    %mul3A_1160 = arith.mulf %get3A_1159, %get3A_29 : vector<16xf32>
    %mul3A_1161 = arith.mulf %get3A_1159, %get3A_1159 : vector<16xf32>
    %get3A_1162 = arith.constant 14 : i32
    %get3A_1163 = arith.index_cast %get3A_1162 : i32 to index
    %get3A_1164 = arith.constant 16 : index
    %get3A_1165 = tpu.vector_load %arg10[%get3A_1163, %get3A_1164] {strides = array<i32>} : memref<16x128xf32, #tpu.memory_space<vmem>>, vector<16xf32>,
    %mul3A_1166 = arith.mulf %get3A_1165, %get3A_33 : vector<16xf32>
    %add3A_1167 = arith.addf %mul3A_1160, %mul3A_1166 : vector<16xf32>
    %mul3A_1168 = arith.mulf %get3A_1165, %get3A_1165 : vector<16xf32>
    %add3A_1169 = arith.addf %mul3A_1161, %mul3A_1168 : vector<16xf32>
    %get3A_1170 = arith.constant 14 : i32
    %get3A_1171 = arith.index_cast %get3A_1170 : i32 to index
    %get3A_1172 = arith.constant 32 : index
    %get3A_1173 = tpu.vector_load %arg10[%get3A_1171, %get3A_1172] {strides = array<i32>} : memref<16x128xf32, #tpu.memory_space<vmem>>, vector<16xf32>,
    %mul3A_1174 = arith.mulf %get3A_1173, %get3A_37 : vector<16xf32>
    %add3A_1175 = arith.addf %add3A_1167, %mul3A_1174 : vector<16xf32>
    %mul3A_1176 = arith.mulf %get3A_1173, %get3A_1173 : vector<16xf32>
    %add3A_1177 = arith.addf %add3A_1169, %mul3A_1176 : vector<16xf32>
    %get3A_1178 = arith.constant 14 : i32
    %get3A_1179 = arith.index_cast %get3A_1178 : i32 to index
    %get3A_1180 = arith.constant 48 : index
    %get3A_1181 = tpu.vector_load %arg10[%get3A_1179, %get3A_1180] {strides = array<i32>} : memref<16x128xf32, #tpu.memory_space<vmem>>, vector<16xf32>,
    %mul3A_1182 = arith.mulf %get3A_1181, %get3A_41 : vector<16xf32>
    %add3A_1183 = arith.addf %add3A_1175, %mul3A_1182 : vector<16xf32>
    %mul3A_1184 = arith.mulf %get3A_1181, %get3A_1181 : vector<16xf32>
    %add3A_1185 = arith.addf %add3A_1177, %mul3A_1184 : vector<16xf32>
    %get3A_1186 = arith.constant 14 : i32
    %get3A_1187 = arith.index_cast %get3A_1186 : i32 to index
    %get3A_1188 = arith.constant 64 : index
    %get3A_1189 = tpu.vector_load %arg10[%get3A_1187, %get3A_1188] {strides = array<i32>} : memref<16x128xf32, #tpu.memory_space<vmem>>, vector<16xf32>,
    %mul3A_1190 = arith.mulf %get3A_1189, %get3A_45 : vector<16xf32>
    %add3A_1191 = arith.addf %add3A_1183, %mul3A_1190 : vector<16xf32>
    %mul3A_1192 = arith.mulf %get3A_1189, %get3A_1189 : vector<16xf32>
    %add3A_1193 = arith.addf %add3A_1185, %mul3A_1192 : vector<16xf32>
    %get3A_1194 = arith.constant 14 : i32
    %get3A_1195 = arith.index_cast %get3A_1194 : i32 to index
    %get3A_1196 = arith.constant 80 : index
    %get3A_1197 = tpu.vector_load %arg10[%get3A_1195, %get3A_1196] {strides = array<i32>} : memref<16x128xf32, #tpu.memory_space<vmem>>, vector<16xf32>,
    %mul3A_1198 = arith.mulf %get3A_1197, %get3A_49 : vector<16xf32>
    %add3A_1199 = arith.addf %add3A_1191, %mul3A_1198 : vector<16xf32>
    %mul3A_1200 = arith.mulf %get3A_1197, %get3A_1197 : vector<16xf32>
    %add3A_1201 = arith.addf %add3A_1193, %mul3A_1200 : vector<16xf32>
    %get3A_1202 = arith.constant 14 : i32
    %get3A_1203 = arith.index_cast %get3A_1202 : i32 to index
    %get3A_1204 = arith.constant 96 : index
    %get3A_1205 = tpu.vector_load %arg10[%get3A_1203, %get3A_1204] {strides = array<i32>} : memref<16x128xf32, #tpu.memory_space<vmem>>, vector<16xf32>,
    %mul3A_1206 = arith.mulf %get3A_1205, %get3A_53 : vector<16xf32>
    %add3A_1207 = arith.addf %add3A_1199, %mul3A_1206 : vector<16xf32>
    %mul3A_1208 = arith.mulf %get3A_1205, %get3A_1205 : vector<16xf32>
    %add3A_1209 = arith.addf %add3A_1201, %mul3A_1208 : vector<16xf32>
    %get3A_1210 = arith.constant 14 : i32
    %get3A_1211 = arith.index_cast %get3A_1210 : i32 to index
    %get3A_1212 = arith.constant 112 : index
    %get3A_1213 = tpu.vector_load %arg10[%get3A_1211, %get3A_1212] {strides = array<i32>} : memref<16x128xf32, #tpu.memory_space<vmem>>, vector<16xf32>,
    %mul3A_1214 = arith.mulf %get3A_1213, %get3A_57 : vector<16xf32>
    %add3A_1215 = arith.addf %add3A_1207, %mul3A_1214 : vector<16xf32>
    %mul3A_1216 = arith.mulf %get3A_1213, %get3A_1213 : vector<16xf32>
    %add3A_1217 = arith.addf %add3A_1209, %mul3A_1216 : vector<16xf32>
    %eq3A_1218 = arith.constant 14 : i32
    %eq3A_1219 = vector.broadcast %eq3A_1218 : i32 to vector<16xi32>
    %eq3A_1220 = arith.cmpi eq, %iota3A, %eq3A_1219 : vector<16xi32>
    %reduce_sum3A_1221 = arith.constant true
    %reduce_sum3A_1222 = vector.broadcast %reduce_sum3A_1221 : i1 to vector<16xi1>
    %reduce_sum3A_1223 = tpu.scan <sum>, %add3A_1215 masked %reduce_sum3A_1222 : vector<16xf32>, vector<16xi1> -> vector<16xf32>
    %reduce_sum3A_1224 = vector.extract %reduce_sum3A_1223[15] : f32 from vector<16xf32>
    %broadcast_in_dim3A_1225 = vector.broadcast %reduce_sum3A_1224 : f32 to vector<16xf32>
    %select_n3A_1226 = arith.select %eq3A_1220, %broadcast_in_dim3A_1225, %select_n3A_1149 : vector<16xi1>, vector<16xf32>
    %reduce_sum3A_1227 = arith.constant true
    %reduce_sum3A_1228 = vector.broadcast %reduce_sum3A_1227 : i1 to vector<16xi1>
    %reduce_sum3A_1229 = tpu.scan <sum>, %add3A_1217 masked %reduce_sum3A_1228 : vector<16xf32>, vector<16xi1> -> vector<16xf32>
    %reduce_sum3A_1230 = vector.extract %reduce_sum3A_1229[15] : f32 from vector<16xf32>
    %broadcast_in_dim3A_1231 = vector.broadcast %reduce_sum3A_1230 : f32 to vector<16xf32>
    %select_n3A_1232 = arith.select %eq3A_1220, %broadcast_in_dim3A_1231, %select_n3A_1155 : vector<16xi1>, vector<16xf32>
    %get3A_1233 = arith.constant 15 : i32
    %get3A_1234 = arith.index_cast %get3A_1233 : i32 to index
    %get3A_1235 = arith.constant 0 : index
    %get3A_1236 = tpu.vector_load %arg10[%get3A_1234, %get3A_1235] {strides = array<i32>} : memref<16x128xf32, #tpu.memory_space<vmem>>, vector<16xf32>,
    %mul3A_1237 = arith.mulf %get3A_1236, %get3A_29 : vector<16xf32>
    %mul3A_1238 = arith.mulf %get3A_1236, %get3A_1236 : vector<16xf32>
    %get3A_1239 = arith.constant 15 : i32
    %get3A_1240 = arith.index_cast %get3A_1239 : i32 to index
    %get3A_1241 = arith.constant 16 : index
    %get3A_1242 = tpu.vector_load %arg10[%get3A_1240, %get3A_1241] {strides = array<i32>} : memref<16x128xf32, #tpu.memory_space<vmem>>, vector<16xf32>,
    %mul3A_1243 = arith.mulf %get3A_1242, %get3A_33 : vector<16xf32>
    %add3A_1244 = arith.addf %mul3A_1237, %mul3A_1243 : vector<16xf32>
    %mul3A_1245 = arith.mulf %get3A_1242, %get3A_1242 : vector<16xf32>
    %add3A_1246 = arith.addf %mul3A_1238, %mul3A_1245 : vector<16xf32>
    %get3A_1247 = arith.constant 15 : i32
    %get3A_1248 = arith.index_cast %get3A_1247 : i32 to index
    %get3A_1249 = arith.constant 32 : index
    %get3A_1250 = tpu.vector_load %arg10[%get3A_1248, %get3A_1249] {strides = array<i32>} : memref<16x128xf32, #tpu.memory_space<vmem>>, vector<16xf32>,
    %mul3A_1251 = arith.mulf %get3A_1250, %get3A_37 : vector<16xf32>
    %add3A_1252 = arith.addf %add3A_1244, %mul3A_1251 : vector<16xf32>
    %mul3A_1253 = arith.mulf %get3A_1250, %get3A_1250 : vector<16xf32>
    %add3A_1254 = arith.addf %add3A_1246, %mul3A_1253 : vector<16xf32>
    %get3A_1255 = arith.constant 15 : i32
    %get3A_1256 = arith.index_cast %get3A_1255 : i32 to index
    %get3A_1257 = arith.constant 48 : index
    %get3A_1258 = tpu.vector_load %arg10[%get3A_1256, %get3A_1257] {strides = array<i32>} : memref<16x128xf32, #tpu.memory_space<vmem>>, vector<16xf32>,
    %mul3A_1259 = arith.mulf %get3A_1258, %get3A_41 : vector<16xf32>
    %add3A_1260 = arith.addf %add3A_1252, %mul3A_1259 : vector<16xf32>
    %mul3A_1261 = arith.mulf %get3A_1258, %get3A_1258 : vector<16xf32>
    %add3A_1262 = arith.addf %add3A_1254, %mul3A_1261 : vector<16xf32>
    %get3A_1263 = arith.constant 15 : i32
    %get3A_1264 = arith.index_cast %get3A_1263 : i32 to index
    %get3A_1265 = arith.constant 64 : index
    %get3A_1266 = tpu.vector_load %arg10[%get3A_1264, %get3A_1265] {strides = array<i32>} : memref<16x128xf32, #tpu.memory_space<vmem>>, vector<16xf32>,
    %mul3A_1267 = arith.mulf %get3A_1266, %get3A_45 : vector<16xf32>
    %add3A_1268 = arith.addf %add3A_1260, %mul3A_1267 : vector<16xf32>
    %mul3A_1269 = arith.mulf %get3A_1266, %get3A_1266 : vector<16xf32>
    %add3A_1270 = arith.addf %add3A_1262, %mul3A_1269 : vector<16xf32>
    %get3A_1271 = arith.constant 15 : i32
    %get3A_1272 = arith.index_cast %get3A_1271 : i32 to index
    %get3A_1273 = arith.constant 80 : index
    %get3A_1274 = tpu.vector_load %arg10[%get3A_1272, %get3A_1273] {strides = array<i32>} : memref<16x128xf32, #tpu.memory_space<vmem>>, vector<16xf32>,
    %mul3A_1275 = arith.mulf %get3A_1274, %get3A_49 : vector<16xf32>
    %add3A_1276 = arith.addf %add3A_1268, %mul3A_1275 : vector<16xf32>
    %mul3A_1277 = arith.mulf %get3A_1274, %get3A_1274 : vector<16xf32>
    %add3A_1278 = arith.addf %add3A_1270, %mul3A_1277 : vector<16xf32>
    %get3A_1279 = arith.constant 15 : i32
    %get3A_1280 = arith.index_cast %get3A_1279 : i32 to index
    %get3A_1281 = arith.constant 96 : index
    %get3A_1282 = tpu.vector_load %arg10[%get3A_1280, %get3A_1281] {strides = array<i32>} : memref<16x128xf32, #tpu.memory_space<vmem>>, vector<16xf32>,
    %mul3A_1283 = arith.mulf %get3A_1282, %get3A_53 : vector<16xf32>
    %add3A_1284 = arith.addf %add3A_1276, %mul3A_1283 : vector<16xf32>
    %mul3A_1285 = arith.mulf %get3A_1282, %get3A_1282 : vector<16xf32>
    %add3A_1286 = arith.addf %add3A_1278, %mul3A_1285 : vector<16xf32>
    %get3A_1287 = arith.constant 15 : i32
    %get3A_1288 = arith.index_cast %get3A_1287 : i32 to index
    %get3A_1289 = arith.constant 112 : index
    %get3A_1290 = tpu.vector_load %arg10[%get3A_1288, %get3A_1289] {strides = array<i32>} : memref<16x128xf32, #tpu.memory_space<vmem>>, vector<16xf32>,
    %mul3A_1291 = arith.mulf %get3A_1290, %get3A_57 : vector<16xf32>
    %add3A_1292 = arith.addf %add3A_1284, %mul3A_1291 : vector<16xf32>
    %mul3A_1293 = arith.mulf %get3A_1290, %get3A_1290 : vector<16xf32>
    %add3A_1294 = arith.addf %add3A_1286, %mul3A_1293 : vector<16xf32>
    %eq3A_1295 = arith.constant 15 : i32
    %eq3A_1296 = vector.broadcast %eq3A_1295 : i32 to vector<16xi32>
    %eq3A_1297 = arith.cmpi eq, %iota3A, %eq3A_1296 : vector<16xi32>
    %reduce_sum3A_1298 = arith.constant true
    %reduce_sum3A_1299 = vector.broadcast %reduce_sum3A_1298 : i1 to vector<16xi1>
    %reduce_sum3A_1300 = tpu.scan <sum>, %add3A_1292 masked %reduce_sum3A_1299 : vector<16xf32>, vector<16xi1> -> vector<16xf32>
    %reduce_sum3A_1301 = vector.extract %reduce_sum3A_1300[15] : f32 from vector<16xf32>
    %broadcast_in_dim3A_1302 = vector.broadcast %reduce_sum3A_1301 : f32 to vector<16xf32>
    %select_n3A_1303 = arith.select %eq3A_1297, %broadcast_in_dim3A_1302, %select_n3A_1226 : vector<16xi1>, vector<16xf32>
    %reduce_sum3A_1304 = arith.constant true
    %reduce_sum3A_1305 = vector.broadcast %reduce_sum3A_1304 : i1 to vector<16xi1>
    %reduce_sum3A_1306 = tpu.scan <sum>, %add3A_1294 masked %reduce_sum3A_1305 : vector<16xf32>, vector<16xi1> -> vector<16xf32>
    %reduce_sum3A_1307 = vector.extract %reduce_sum3A_1306[15] : f32 from vector<16xf32>
    %broadcast_in_dim3A_1308 = vector.broadcast %reduce_sum3A_1307 : f32 to vector<16xf32>
    %select_n3A_1309 = arith.select %eq3A_1297, %broadcast_in_dim3A_1308, %select_n3A_1232 : vector<16xi1>, vector<16xf32>
    %mul3A_1310 = arith.constant 16 : i32
    %mul3A_1311 = arith.muli %add3A, %mul3A_1310 : i32
    %add3A_1312 = vector.broadcast %mul3A_1311 : i32 to vector<16xi32>
    %add3A_1313 = arith.addi %add3A_1312, %iota3A : vector<16xi32>
    %lt3A_1314 = arith.constant 200 : i32
    %lt3A_1315 = vector.broadcast %lt3A_1314 : i32 to vector<16xi32>
    %lt3A_1316 = arith.cmpi slt, %add3A_1313, %lt3A_1315 : vector<16xi32>
    %lt3A_1317 = arith.constant 400 : i32
    %lt3A_1318 = vector.broadcast %lt3A_1317 : i32 to vector<16xi32>
    %lt3A_1319 = arith.cmpi slt, %add3A_1313, %lt3A_1318 : vector<16xi32>
    %jit3A = arith.constant 1.000000e+00 : f32
    %jit3A_1320 = arith.constant 0.000000e+00 : f32
    %broadcast_in_dim3A_1321 = vector.broadcast %jit3A : f32 to vector<16xf32>
    %broadcast_in_dim3A_1322 = vector.broadcast %jit3A_1320 : f32 to vector<16xf32>
    %select_n3A_1323 = arith.select %lt3A_1319, %broadcast_in_dim3A_1321, %broadcast_in_dim3A_1322 : vector<16xi1>, vector<16xf32>
    %jit3A_1324 = arith.constant -1.000000e+00 : f32
    %broadcast_in_dim3A_1325 = vector.broadcast %jit3A_1324 : f32 to vector<16xf32>
    %select_n3A_1326 = arith.select %lt3A_1316, %broadcast_in_dim3A_1325, %select_n3A_1323 : vector<16xi1>, vector<16xf32>
    %broadcast_in_dim3A_1327 = vector.broadcast %reduce_sum3A_75 : f32 to vector<16xf32>
    %max3A = arith.constant 1.000000e-30 : f32
    %max3A_1328 = vector.broadcast %max3A : f32 to vector<16xf32>
    %max3A_1329 = arith.maximumf %broadcast_in_dim3A_1327, %max3A_1328 : vector<16xf32>
    %bitcast_convert_type3A = tpu.bitcast %max3A_1329 : vector<16xf32> -> vector<16xi32>
    %shift_right_logical3A = arith.constant 1 : i32
    %shift_right_logical3A_1330 = vector.broadcast %shift_right_logical3A : i32 to vector<16xi32>
    %shift_right_logical3A_1331 = arith.shrui %bitcast_convert_type3A, %shift_right_logical3A_1330 : vector<16xi32>
    %sub3A = arith.constant 1597463007 : i32
    %sub3A_1332 = vector.broadcast %sub3A : i32 to vector<16xi32>
    %sub3A_1333 = arith.subi %sub3A_1332, %shift_right_logical3A_1331 : vector<16xi32>
    %bitcast_convert_type3A_1334 = tpu.bitcast %sub3A_1333 : vector<16xi32> -> vector<16xf32>
    %mul3A_1335 = arith.constant 5.000000e-01 : f32
    %mul3A_1336 = vector.broadcast %mul3A_1335 : f32 to vector<16xf32>
    %mul3A_1337 = arith.mulf %mul3A_1336, %max3A_1329 : vector<16xf32>
    %mul3A_1338 = arith.mulf %mul3A_1337, %bitcast_convert_type3A_1334 : vector<16xf32>
    %mul3A_1339 = arith.mulf %mul3A_1338, %bitcast_convert_type3A_1334 : vector<16xf32>
    %sub3A_1340 = arith.constant 1.500000e+00 : f32
    %sub3A_1341 = vector.broadcast %sub3A_1340 : f32 to vector<16xf32>
    %sub3A_1342 = arith.subf %sub3A_1341, %mul3A_1339 : vector<16xf32>
    %mul3A_1343 = arith.mulf %bitcast_convert_type3A_1334, %sub3A_1342 : vector<16xf32>
    %mul3A_1344 = arith.mulf %mul3A_1337, %mul3A_1343 : vector<16xf32>
    %mul3A_1345 = arith.mulf %mul3A_1344, %mul3A_1343 : vector<16xf32>
    %sub3A_1346 = arith.constant 1.500000e+00 : f32
    %sub3A_1347 = vector.broadcast %sub3A_1346 : f32 to vector<16xf32>
    %sub3A_1348 = arith.subf %sub3A_1347, %mul3A_1345 : vector<16xf32>
    %mul3A_1349 = arith.mulf %mul3A_1343, %sub3A_1348 : vector<16xf32>
    %mul3A_1350 = arith.mulf %mul3A_1337, %mul3A_1349 : vector<16xf32>
    %mul3A_1351 = arith.mulf %mul3A_1350, %mul3A_1349 : vector<16xf32>
    %sub3A_1352 = arith.constant 1.500000e+00 : f32
    %sub3A_1353 = vector.broadcast %sub3A_1352 : f32 to vector<16xf32>
    %sub3A_1354 = arith.subf %sub3A_1353, %mul3A_1351 : vector<16xf32>
    %mul3A_1355 = arith.mulf %mul3A_1349, %sub3A_1354 : vector<16xf32>
    %mul3A_1356 = arith.mulf %max3A_1329, %mul3A_1355 : vector<16xf32>
    %max3A_1357 = arith.constant 9.99999993E-9 : f32
    %max3A_1358 = vector.broadcast %max3A_1357 : f32 to vector<16xf32>
    %max3A_1359 = arith.maximumf %mul3A_1356, %max3A_1358 : vector<16xf32>
    %max3A_1360 = arith.constant 1.000000e-30 : f32
    %max3A_1361 = vector.broadcast %max3A_1360 : f32 to vector<16xf32>
    %max3A_1362 = arith.maximumf %select_n3A_1309, %max3A_1361 : vector<16xf32>
    %bitcast_convert_type3A_1363 = tpu.bitcast %max3A_1362 : vector<16xf32> -> vector<16xi32>
    %shift_right_logical3A_1364 = arith.constant 1 : i32
    %shift_right_logical3A_1365 = vector.broadcast %shift_right_logical3A_1364 : i32 to vector<16xi32>
    %shift_right_logical3A_1366 = arith.shrui %bitcast_convert_type3A_1363, %shift_right_logical3A_1365 : vector<16xi32>
    %sub3A_1367 = arith.constant 1597463007 : i32
    %sub3A_1368 = vector.broadcast %sub3A_1367 : i32 to vector<16xi32>
    %sub3A_1369 = arith.subi %sub3A_1368, %shift_right_logical3A_1366 : vector<16xi32>
    %bitcast_convert_type3A_1370 = tpu.bitcast %sub3A_1369 : vector<16xi32> -> vector<16xf32>
    %mul3A_1371 = arith.constant 5.000000e-01 : f32
    %mul3A_1372 = vector.broadcast %mul3A_1371 : f32 to vector<16xf32>
    %mul3A_1373 = arith.mulf %mul3A_1372, %max3A_1362 : vector<16xf32>
    %mul3A_1374 = arith.mulf %mul3A_1373, %bitcast_convert_type3A_1370 : vector<16xf32>
    %mul3A_1375 = arith.mulf %mul3A_1374, %bitcast_convert_type3A_1370 : vector<16xf32>
    %sub3A_1376 = arith.constant 1.500000e+00 : f32
    %sub3A_1377 = vector.broadcast %sub3A_1376 : f32 to vector<16xf32>
    %sub3A_1378 = arith.subf %sub3A_1377, %mul3A_1375 : vector<16xf32>
    %mul3A_1379 = arith.mulf %bitcast_convert_type3A_1370, %sub3A_1378 : vector<16xf32>
    %mul3A_1380 = arith.mulf %mul3A_1373, %mul3A_1379 : vector<16xf32>
    %mul3A_1381 = arith.mulf %mul3A_1380, %mul3A_1379 : vector<16xf32>
    %sub3A_1382 = arith.constant 1.500000e+00 : f32
    %sub3A_1383 = vector.broadcast %sub3A_1382 : f32 to vector<16xf32>
    %sub3A_1384 = arith.subf %sub3A_1383, %mul3A_1381 : vector<16xf32>
    %mul3A_1385 = arith.mulf %mul3A_1379, %sub3A_1384 : vector<16xf32>
    %mul3A_1386 = arith.mulf %mul3A_1373, %mul3A_1385 : vector<16xf32>
    %mul3A_1387 = arith.mulf %mul3A_1386, %mul3A_1385 : vector<16xf32>
    %sub3A_1388 = arith.constant 1.500000e+00 : f32
    %sub3A_1389 = vector.broadcast %sub3A_1388 : f32 to vector<16xf32>
    %sub3A_1390 = arith.subf %sub3A_1389, %mul3A_1387 : vector<16xf32>
    %mul3A_1391 = arith.mulf %mul3A_1385, %sub3A_1390 : vector<16xf32>
    %mul3A_1392 = arith.mulf %max3A_1362, %mul3A_1391 : vector<16xf32>
    %max3A_1393 = arith.constant 9.99999993E-9 : f32
    %max3A_1394 = vector.broadcast %max3A_1393 : f32 to vector<16xf32>
    %max3A_1395 = arith.maximumf %mul3A_1392, %max3A_1394 : vector<16xf32>
    %mul3A_1396 = arith.mulf %max3A_1359, %max3A_1395 : vector<16xf32>
    %div3A = arith.divf %select_n3A_1303, %mul3A_1396 : vector<16xf32>
    %neg3A = arith.constant 0.000000e+00 : f32
    %neg3A_1397 = vector.broadcast %neg3A : f32 to vector<16xf32>
    %neg3A_1398 = arith.subf %neg3A_1397, %div3A : vector<16xf32>
    %exp3A = math.exp %neg3A_1398 : vector<16xf32>
    %add3A_1399 = arith.constant 1.000000e+00 : f32
    %add3A_1400 = vector.broadcast %add3A_1399 : f32 to vector<16xf32>
    %add3A_1401 = arith.addf %add3A_1400, %exp3A : vector<16xf32>
    %div3A_1402 = arith.constant 1.000000e+00 : f32
    %div3A_1403 = vector.broadcast %div3A_1402 : f32 to vector<16xf32>
    %div3A_1404 = arith.divf %div3A_1403, %add3A_1401 : vector<16xf32>
    %mul3A_1405 = arith.mulf %select_n3A_1326, %div3A_1404 : vector<16xf32>
    %reduce_sum3A_1406 = arith.constant true
    %reduce_sum3A_1407 = vector.broadcast %reduce_sum3A_1406 : i1 to vector<16xi1>
    %reduce_sum3A_1408 = tpu.scan <sum>, %mul3A_1405 masked %reduce_sum3A_1407 : vector<16xf32>, vector<16xi1> -> vector<16xf32>
    %reduce_sum3A_1409 = vector.extract %reduce_sum3A_1408[15] : f32 from vector<16xf32>
    %broadcast_in_dim3A_1410 = vector.broadcast %reduce_sum3A_1409 : f32 to vector<16xf32>
    %swap3A = arith.constant 0 : index
    %swap3A_1411 = tpu.vector_load %arg12[%swap3A] {strides = array<i32>} : memref<16xf32, #tpu.memory_space<vmem>>, vector<16xf32>,
    tpu.vector_store %arg12[%swap3A], %broadcast_in_dim3A_1410 {strides = array<i32>} : memref<16xf32, #tpu.memory_space<vmem>>, vector<16xf32>,
    "tpu.region"() ({
      %run_scoped3A = tpu.sem_alloc : memref<!tpu.dma_semaphore, #tpu.memory_space<semaphore_mem>>
      %dma_start3A_1412 = arith.constant 0 : i32
      %dma_start3A_1413 = tpu.memref_slice %arg7[%add3A, %dma_start3A_1412] : memref<32x16xf32, #tpu.memory_space<hbm>> -> memref<1x16xf32, #tpu.memory_space<hbm>>
      %dma_start3A_1414 = tpu.memref_squeeze %dma_start3A_1413 : memref<1x16xf32, #tpu.memory_space<hbm>> -> memref<16xf32, #tpu.memory_space<hbm>>
      %dma_start3A_1415 = arith.constant 0 : i32
      %dma_start3A_1416 = tpu.memref_slice %arg7[%add3A, %dma_start3A_1415] : memref<32x16xf32, #tpu.memory_space<hbm>> -> memref<1x16xf32, #tpu.memory_space<hbm>>
      %dma_start3A_1417 = tpu.memref_squeeze %dma_start3A_1416 : memref<1x16xf32, #tpu.memory_space<hbm>> -> memref<16xf32, #tpu.memory_space<hbm>>
      tpu.enqueue_dma source(%arg12 : memref<16xf32, #tpu.memory_space<vmem>>) target(%dma_start3A_1417 : memref<16xf32, #tpu.memory_space<hbm>>) target_semaphore(%run_scoped3A : memref<!tpu.dma_semaphore, #tpu.memory_space<semaphore_mem>>)
      %dma_wait3A_1418 = arith.constant 0 : i32
      %dma_wait3A_1419 = tpu.memref_slice %arg7[%add3A, %dma_wait3A_1418] : memref<32x16xf32, #tpu.memory_space<hbm>> -> memref<1x16xf32, #tpu.memory_space<hbm>>
      %dma_wait3A_1420 = tpu.memref_squeeze %dma_wait3A_1419 : memref<1x16xf32, #tpu.memory_space<hbm>> -> memref<16xf32, #tpu.memory_space<hbm>>
      %dma_wait3A_1421 = arith.constant 0 : i32
      %dma_wait3A_1422 = tpu.memref_slice %arg7[%add3A, %dma_wait3A_1421] : memref<32x16xf32, #tpu.memory_space<hbm>> -> memref<1x16xf32, #tpu.memory_space<hbm>>
      %dma_wait3A_1423 = tpu.memref_squeeze %dma_wait3A_1422 : memref<1x16xf32, #tpu.memory_space<hbm>> -> memref<16xf32, #tpu.memory_space<hbm>>
      tpu.wait_dma2 semaphore(%run_scoped3A : memref<!tpu.dma_semaphore, #tpu.memory_space<semaphore_mem>>) src(%arg12 : memref<16xf32, #tpu.memory_space<vmem>>) dst(%dma_wait3A_1423 : memref<16xf32, #tpu.memory_space<hbm>>)
      tpu.yield
    }) : () -> ()
    return
  }
}

</mosaic_0001>

<sc_bundles>
// kernel: kernel.3.cloned.1.call-start
scs
__scs_entry_jumppad:
0x0: {  	(pc) =	sbr.rel $0x88, $3  }
0x1: {  	(tag) =	ssettag $0x0;
	lr =	simm.s32 $0x1  }
0x2: {  	[smem:$0x3F9C] =	sst lr;
	_ =	strace $0xD0000000  }
0x3: {  	_ = 	snop  }
0x4: {  	_ = 	snop  }
0x5: {  	_ = 	snop  }
0x6: {  	_ = 	snop  }
0x7: {  	_ = 	snop  }
__scs_overlays_trampoline_lowered:
0x8: {  	[smem:$0x3FAB] =	sst s0  }
0x9: {  	[smem:$0x3FAC] =	sst s1  }
0xa: {  	[smem:$0x3FAD] =	sst s2  }
0xb: {  	[smem:$0x3FAE] =	sst s3  }
0xc: {  	[smem:$0x3FAF] =	sst s4  }
0xd: {  	[smem:$0x3FB0] =	sst s5  }
0xe: {  	[smem:$0x3FB1] =	sst s6  }
0xf: {  	[smem:$0x3FB2] =	sst s7  }
0x10: {  	[smem:$0x3FB3] =	sst s8  }
0x11: {  	[smem:$0x3FB4] =	sst s9;
	s0 =	simm.s32 @!p0 $0x0  }
0x12: {  	s1 =	sld [smem:$0x3F9A];
	s0 =	simm.s32 @p0 $0x1  }
0x13: {  	[smem:$0x3FB5] =	sst s0;
	s0 =	simm.s32 @!p1 $0x0  }
0x14: {  	s2 =	sld [smem:$0x3F99];
	s0 =	simm.s32 @p1 $0x1  }
0x15: {  	[smem:$0x3FB6] =	sst s0;
	s0 =	simm.s32 @!p2 $0x0  }
0x16: {  	s3 =	sld [smem:$0x3FDB];
	s0 =	simm.s32 @p2 $0x1  }
0x17: {  	s4 =	simm.s32 $0x1BF5;
	[smem:$0x3FB8] =	sst s0  }
0x18: {  	s0 =	sld [smem:$0x3F9B];
	_ =	swait.ge [sflag:s4], $0x0  }
0x19: {  	s7 =	sld [smem:$0x3F9C]  }
0x1a: {  	s8 =	sadd.s32 $0xFFFFE003, lr  }
0x1b: {  	s9 =	sadd.s32 $0xFFFFFEF7, lr;
	s5 =	simm.s32 $0xFFFFFFFF;
	p2 =	slt.u32 s8, $0xFFFFF086  }
0x1c: {  	p1 =	slt.u32 s9, $0xF7A;
	s5 =	simm.s32 @!p2 $0x0  }
0x1d: {  	s5 =	simm.s32 @p1 $0x1;
	p0 =	seq.s32 s7, s2  }
0x1e: {  	s7 =	smul.u32 @!p0 $0xF7A, s2;
	p2 =	seq.s32 @!p0 s5, $0x0  }
0x1f: {  	s9 =	smul.u32 $0xF7A, s1;
	s8 =	simm.s32 @!p0 $0x1BF5;
	p2 =	por !p2, p0  }
0x20: {  	[sflag:s8] =	ssyncset.s32 @!p0 $0xFFFFF086;
	s6 =	sadd.s32 @!p0 s3, s7;
	s7 =	simm.s32 @!p0 $0x108  }
0x21: {  	s3 =	sadd.s32 s3, s9;
	s6 =	sadd.s32 @!p0 $0x88, s6;
	s7 =	simm.s32 @p2 $0x1082  }
0x22: {  	[simem:s7], [sflag:s8] =	dma.local @!p0 [hbm:s6], $0xF7A  }
0x23: {  	s9 =	sor.u32 $0xD0000000, s2;
	s6 =	simm.s32 $0x108;
	_ =	swait.ge @!p0 [sflag:s8], $0x0  }
0x24: {  	s3 =	sadd.s32 $0x88, s3;
	s6 =	simm.s32 @!p1 $0x1082;
	[sflag:s4] =	ssyncset.s32 $0xFFFFF086  }
0x25: {  	[simem:s6], [sflag:s4] =	dma.local [hbm:s3], $0xF7A  }
0x26: {  	[smem:$0x3F9C] =	sst s1;
	(tag) =	ssettag s2;
	_ =	strace s9  }
0x27: {  	s1 =	sld [smem:$0x3FAC]  }
0x28: {  	s2 =	sld [smem:$0x3FAD]  }
0x29: {  	s4 =	sld [smem:$0x3FAF]  }
0x2a: {  	p0 =	seq.s32 s5, $0x0;
	s5 =	sld [smem:$0x3FB0]  }
0x2b: {  	s6 =	sld [smem:$0x3FB1]  }
0x2c: {  	s7 =	sld [smem:$0x3FB2]  }
0x2d: {  	s3 =	simm.s32 $0x108;
	s8 =	sld [smem:$0x3FB3]  }
0x2e: {  	s3 =	simm.s32 @!p0 $0x1082;
	s9 =	sld [smem:$0x3FB4]  }
0x2f: {  	lr =	sadd.s32 s0, s3;
	s0 =	sld [smem:$0x3FAB]  }
0x30: {  	s3 =	sld [smem:$0x3FAE]  }
0x31: {  	[smem:$0x3FB7] =	sst s10  }
0x32: {  	s10 =	sld [smem:$0x3FB5];
	_ =	sdelay $0x3  }
0x33: {  	p0 =	seq.s32 s10, $0x1;
	s10 =	sld [smem:$0x3FB7];
	_ =	sdelay $0x3  }
0x34: {  	[smem:$0x3FB7] =	sst s10  }
0x35: {  	s10 =	sld [smem:$0x3FB6];
	_ =	sdelay $0x3  }
0x36: {  	p1 =	seq.s32 s10, $0x1;
	s10 =	sld [smem:$0x3FB7];
	_ =	sdelay $0x3  }
0x37: {  	[smem:$0x3FB7] =	sst s10  }
0x38: {  	s10 =	sld [smem:$0x3FB8]  }
0x39: {  	_ = 	snop;
	(pc) =	sbr.ind lr, $3  }
0x3a: {  	_ = 	snop  }
0x3b: {  	_ = 	snop  }
0x3c: {  	p2 =	seq.s32 s10, $0x1;
	s10 =	sld [smem:$0x3FB7]  }
0x3d: {  	_ =	shalt  }
0x3e: {  	_ =	shalt  }
0x3f: {  	_ =	shalt  }
0x40: {  	_ =	shalt  }
0x41: {  	_ =	shalt  }
0x42: {  	_ =	shalt  }
0x43: {  	_ =	shalt  }
0x44: {  	_ =	shalt  }
0x45: {  	_ =	shalt  }
0x46: {  	_ =	shalt  }
0x47: {  	_ =	shalt  }
0x48: {  	_ =	shalt  }
0x49: {  	_ =	shalt  }
0x4a: {  	_ =	shalt  }
0x4b: {  	_ =	shalt  }
0x4c: {  	_ =	shalt  }
0x4d: {  	_ =	shalt  }
0x4e: {  	_ =	shalt  }
0x4f: {  	_ =	shalt  }
0x50: {  	_ =	shalt  }
0x51: {  	_ =	shalt  }
0x52: {  	_ =	shalt  }
0x53: {  	_ =	shalt  }
0x54: {  	_ =	shalt  }
0x55: {  	_ =	shalt  }
0x56: {  	_ =	shalt  }
0x57: {  	_ =	shalt  }
0x58: {  	_ =	shalt  }
0x59: {  	_ =	shalt  }
0x5a: {  	_ =	shalt  }
0x5b: {  	_ =	shalt  }
0x5c: {  	_ =	shalt  }
0x5d: {  	_ =	shalt  }
0x5e: {  	_ =	shalt  }
0x5f: {  	_ =	shalt  }
0x60: {  	_ =	shalt  }
0x61: {  	_ =	shalt  }
0x62: {  	_ =	shalt  }
0x63: {  	_ =	shalt  }
0x64: {  	_ =	shalt  }
0x65: {  	_ =	shalt  }
0x66: {  	_ =	shalt  }
0x67: {  	_ =	shalt  }
0x68: {  	_ =	shalt  }
0x69: {  	_ =	shalt  }
0x6a: {  	_ =	shalt  }
0x6b: {  	_ =	shalt  }
0x6c: {  	_ =	shalt  }
0x6d: {  	_ =	shalt  }
0x6e: {  	_ =	shalt  }
0x6f: {  	_ =	shalt  }
0x70: {  	_ =	shalt  }
0x71: {  	_ =	shalt  }
0x72: {  	_ =	shalt  }
0x73: {  	_ =	shalt  }
0x74: {  	_ =	shalt  }
0x75: {  	_ =	shalt  }
0x76: {  	_ =	shalt  }
0x77: {  	_ =	shalt  }
0x78: {  	_ =	shalt  }
0x79: {  	_ =	shalt  }
0x7a: {  	_ =	shalt  }
0x7b: {  	_ =	shalt  }
0x7c: {  	_ =	shalt  }
0x7d: {  	_ =	shalt  }
0x7e: {  	_ =	shalt  }
0x7f: {  	_ =	shalt  }
0x80: {  	_ =	shalt  }
0x81: {  	_ =	shalt  }
0x82: {  	_ =	shalt  }
0x83: {  	_ =	shalt  }
0x84: {  	_ =	shalt  }
0x85: {  	_ =	shalt  }
0x86: {  	_ =	shalt  }
0x87: {  	_ =	shalt  }
.Lfunc_end0:
.L_simem_size_0:
called_computation_lowered:
.L_overlay_start_0:
0x88: {  	s2 =	sld [smem:$0x3FD9]  }
0x89: {  	s3 =	sld [smem:$0x3FFE];
	_ =	sdelay $0x1  }
0x8a: {  	s1 =	srdreg.scid  }
0x8b: {  	s0 =	sand.u32 $0x1, s1  }
0x8c: {  	s17 =	sshll.u32 s0, $0xA;
	s2 =	sadd.s32 s3, s2  }
0x8d: {  	s2 =	sadd.s32 s2, s17  }
0x8e: {  	[smem:$0x3FC3] =	sst s2  }
0x8f: {  	_ = 	snop  }
0x90: {  	s2 =	sld [smem:$0x3FC9]  }
0x91: {  	s18 =	sld [smem:$0x3FC8]  }
0x92: {  	s4 =	sld [smem:$0x3FC7]  }
0x93: {  	s5 =	sld [smem:$0x3FC6]  }
0x94: {  	s6 =	sld [smem:$0x3FC5];
	(tm) =	ssettm $0x1  }
0x95: {  	s7 =	sld [smem:$0x3FFB];
	_ =	sdelay $0x3  }
0x96: {  	_ =	strace s7  }
0x97: {  	s7 =	sld [smem:$0x3FFC];
	_ =	sdelay $0x3  }
0x98: {  	_ =	strace s7  }
0x99: {  	s7 =	sld [smem:$0x3FFD];
	_ =	sdelay $0x3  }
0x9a: {  	_ =	strace s7  }
0x9b: {  	_ =	strace $0x8FFFFFFF  }
0x9c: {  	s19 =	sld [smem:$0x3FDB];
	_ =	sdelay $0x1  }
0x9d: {  	s8 =	simm.s32 $_scs_section_size  }
0x9e: {  	s9 =	simm.s32 $_size__tile_overlayer_lowered;
	s10 =	simm.s32 $_tile_overlayer_lowered  }
0x9f: {  	s22 =	simm.s32 $0x1BFF;
	s21 =	sshll.u32 s10, $0x1;
	s7 =	sadd.s32 s8, s19  }
0xa0: {  	s11 =	simm.s32 $0x0;
	s20 =	sshll.u32 s9, $0x1;
	s9 =	sadd.s32 s21, s7  }
0xa1: {  	[timem:s11], [sflag:s22] =	dma.local [hbm:s9], s20  }
0xa2: {  	_ =	swait.ge [sflag:s22], s20  }
0xa3: {  	s8 =	ssub.s32 $0x0, s20;
	[sflag:s22] =	ssyncset.done $0x0  }
0xa4: {  	[sflag:s22] =	ssyncadd.s32 s8;
	_ =	sdelay $0x1  }
0xa5: {  	s23 =	simm.s32 $0x1B8B  }
0xa6: {  	_ =	swait.ge [sflag:s23], $0x1  }
0xa7: {  	[sflag:s23] =	ssyncset.done $0x0  }
0xa8: {  	s25 =	simm.s32 $0x1B8E;
	s24 =	sld [smem:$0x3FFE];
	[sflag:s23] =	ssyncadd.s32 $0xFFFFFFFF  }
0xa9: {  	s26 =	simm.s32 $execute0_lowered;
	[smem:$0x3FD2] =	sst s25  }
0xaa: {  	s9 =	sshll.u32 s26, $0x1;
	_ =	strace $0x80000046;
	[dreg:$0x1] =	wrdreg $0xFFFFFFFF  }
0xab: {  	s28 =	simm.s32 $_size_execute0_lowered;
	s7 =	sadd.s32 s7, s9;
	[dreg:$0x0] =	wrdreg $0x0  }
0xac: {  	s9 =	sshll.u32 s28, $0x1;
	[dreg:$0x2] =	wrdreg s7  }
0xad: {  	[dreg:$0x3] =	wrdreg s9  }
0xae: {  	[dreg:$0x4] =	wrdreg $0xC0  }
0xaf: {  	_ =	task [dreg:s11], $0x5FFFF  }
0xb0: {  	[dreg:$0x1] =	wrdreg $0xFFFFFFFF  }
0xb1: {  	[dreg:$0x0] =	wrdreg $0x60  }
0xb2: {  	[dreg:$0x2] =	wrdreg s18  }
0xb3: {  	[dreg:$0x3] =	wrdreg s4  }
0xb4: {  	[dreg:$0x4] =	wrdreg s2  }
0xb5: {  	[dreg:$0x5] =	wrdreg s6  }
0xb6: {  	[dreg:$0x6] =	wrdreg s5  }
0xb7: {  	[dreg:$0x7] =	wrdreg s24  }
0xb8: {  	[dreg:$0x8] =	wrdreg $0x9  }
0xb9: {  	_ =	task.clear_ibuf [dreg:s11], $0x9FFFF;
	_ =	strace $0x90000046  }
0xba: {  	s29 =	simm.s32 $0x9;
	_ =	strace $0x80000048  }
0xbb: {  	_ =	swait.ge [sflag:s29], $0x1  }
0xbc: {  	[sflag:s29] =	ssyncadd.s32 $0xFFFFFFFF  }
0xbd: {  	_ =	strace $0x90000048  }
0xbe: {  	_ =	sfence  }
0xbf: {  	s30 =	sld [smem:$0x0];
	_ =	sdelay $0x2  }
0xc0: {  	s31 =	sshll.u32 s1, $0xD;
	s1 =	sshrl.u32 s1, $0x2  }
0xc1: {  	s3 =	sand.u32 $0x4000, s31;
	s1 =	sadd.s32 s1, s30  }
0xc2: {  	s0 =	sor.u32 s3, s0;
	s1 =	sshll.u32 s1, $0x11  }
0xc3: {  	s0 =	sor.u32 s1, s0  }
0xc4: {  	s0 =	sadd.s32 $0x8F2B, s0  }
0xc5: {  	[sflag:s0] =	ssyncadd.remote.s32 $0x1  }
0xc6: {  	_ =	sfence.sel $0xFFFF  }
0xc7: {  	[dreg:$0x0] =	wrdreg $0xFFFFFFFF;
	(pc) =	sbr.abs _section_cstart, $3  }
0xc8: {  	[dreg:$0x1] =	wrdreg $0xFFFFFFFF  }
0xc9: {  	_ =	task.clear_ibuf [dreg:s11], $0x2FFFF;
	_ =	strace $0x9FFFFFFF  }
0xca: {  	(tm) =	ssettm $0x7FFFFFFF  }
0xcb: {  	_ =	shalt  }
tec
execute0_lowered:
.L_overlay_start_1:
0x0: {  	(tag) =	ssettag $0x1  }
0x1: {  	s9 =	rddreg [dreg:$0x0]  }
0x2: {  	s0 =	rddreg [dreg:$0x1]  }
0x3: {  	s2 =	rddreg [dreg:$0x2]  }
0x4: {  	s4 =	rddreg [dreg:$0x3]  }
0x5: {  	s5 =	rddreg [dreg:$0x4]  }
0x6: {  	s10 =	rddreg [dreg:$0x5];
	s6 =	srdreg.scid  }
0x7: {  	s3 =	stileid.u32;
	s1 =	rddreg [dreg:$0x6];
	s15 =	simm.s32 $0x100  }
0x8: {  	s16 =	simm.s32 $0x1;
	s17 =	simm.s32 $0x900;
	s18 =	simm.s32 $0x980  }
0x9: {  	s7 =	sand.u32 $0x1, s6;
	s8 =	sshll.u32 s3, $0x1;
	s6 =	simm.s32 $0x0  }
0xa: {  	s11 =	ssub.s32 $0x2, s7;
	s12 =	sor.u32 s7, s8;
	[smem:$0x7FF] =	sst s6  }
0xb: {  	v0 =	vlaneseq.u32;
	v2 =	vimm.f32 $0.0e+00;
	vm2 =	vmmov $0x7;
	s30 =	sshrl.u32 s11, $0x1;
	s13 =	sshll.u32 s12, $0x4;
	_ =	strace $0x80000047  }
0xc: {  	vm3 =	vmmov $0xf;
	vm4 =	vmmov $0x1f;
	vm5 =	vmmov $0x3f;
	s7 =	sadd.s32 $0xFFFFFFF3, s12;
	p0 =	sne.s32 s12, $0xC;
	s14 =	sshll.u32 s12, $0x1  }
0xd: {  	vm6 =	vmmov $0x7f;
	vm7 =	vmmov $0xff;
	vm8 =	vmmov $0x1ff;
	s11 =	ssub.s32 s11, s30;
	s31 =	sadd.s32 $0xFFFFFF38, s13;
	p3 =	sgt.u32 @p0 s7, $0xB  }
0xe: {  	vm9 =	vmmov $0x3ff;
	vm10 =	vmmov $0x7ff;
	v0 =	vmul.u32 $0xFFFFFFFF, v0;
	s7 =	sadd.s32 s9, s14;
	s9 =	sadd.s32 $0x18, s9;
	s10 =	sadd.s32 s10, s13  }
0xf: {  	vm11 =	vmmov $0xfff;
	vm12 =	vmmov $0x1fff;
	v1 =	vmov s13;
	s13 =	simm.s32 $0x2;
	s14 =	simm.s32 $0x10;
	p1 =	por !p3, !p0  }
0x10: {  	vm13 =	vmmov $0x3fff;
	v0 =	vadd.s32 $0xC8, v0;
	vm0 =	vlt.u32 v1, $0x190;
	s8 =	sshrl.u32 s31, $0x3;
	s11 =	smax.u32 s11, $0x1;
	p2 =	slt.u32 @!p1 s12, $0x19  }
0x11: {  	vm14 =	vmmov $0x7fff;
	vm1 =	vlt.u32 v1, v0;
	v0 =	vsel vm0, $0x3F800000, v2;
	s8 =	sadd.s32 s0, s8;
	p1 =	sgt.u32 s3, $0x5;
	p2 =	por @p0 p2, !p3  }
0x12: {  	vm0 =	vmmov $0x1;
	s12 =	simm.s32 $0x80;
	v0 =	vsel vm1, $0xBF800000, v0;
	vm1 =	vmmov $0x3;
	p3 =	por p3, !p0;
	p2 =	por p2, !p0  }
.LBB2_1:
0x13: {  	s19 =	simm.s32 @!p1 $0x0  }
0x14: {  	[tilespmem:s19], [sflag:$0x2] =	stream.linear.gather @!p1 [hbm4b:s7+s19], $0x10, $0x38;
	[tilespmem:$0xA00] =	vst v63  }
0x15: {  	s19 =	simm.s32 @!p1 $0x2  }
0x16: {  	_ =	swait.ge @!p1 [sflag:s19], $0x10  }
0x17: {  	[sflag:s19] =	ssyncset.done @!p1 $0x0  }
0x18: {  	v1 =	vimm.s32 @!p2 $0x0;
	[sflag:s19] =	ssyncadd.s32 @!p1 $0xFFFFFFF0  }
0x19: {  	s19 =	simm.s32 @!p3 $0x0;
	[tilespmem:$0x0] =	vst @!p2 v1  }
0x1a: {  	[tilespmem:s19], [sflag:$0x2] =	stream.linear.gather @!p3 [hbm4b:s8+s19], $0x10, $0x38;
	[tilespmem:$0xA00] =	vst v63  }
0x1b: {  	s19 =	simm.s32 @!p3 $0x2  }
0x1c: {  	_ =	swait.ge @!p3 [sflag:s19], $0x10  }
0x1d: {  	[sflag:s19] =	ssyncset.done @!p3 $0x0  }
0x1e: {  	s20 =	simm.s32 @!p0 $0x2;
	[sflag:s19] =	ssyncadd.s32 @!p3 $0xFFFFFFF0;
	s19 =	simm.s32 @!p0 $0x0  }
0x1f: {  	[tilespmem:s19], [sflag:$0x2] =	stream.linear.gather @!p0 [hbm4b:s9+s19], $0x8, $0x38;
	[tilespmem:$0xA00] =	vst v63  }
0x20: {  	_ =	swait.ge @!p0 [sflag:s20], $0x8  }
0x21: {  	[sflag:s20] =	ssyncset.done @!p0 $0x0  }
0x22: {  	s21 =	simm.s32 @!p0 $0x8;
	[sflag:s20] =	ssyncadd.s32 @!p0 $0xFFFFFFF8  }
0x23: {  	[tilespmem:s21], [sflag:$0x2] =	stream.linear.gather @!p0 [hbm4b:s0+s19], $0x8, $0x38;
	[tilespmem:$0xA00] =	vst v63  }
0x24: {  	_ =	swait.ge @!p0 [sflag:s20], $0x8  }
0x25: {  	[sflag:s20] =	ssyncset.done @!p0 $0x0  }
0x26: {  	[sflag:s20] =	ssyncadd.s32 @!p0 $0xFFFFFFF8  }
0x27: {  	[tilespmem:s12], [sflag:$0x2] =	stream.linear.gather [hbm4b:s2+s6], $0x80, $0x38;
	[tilespmem:$0xA00] =	vst v63  }
0x28: {  	_ =	swait.ge [sflag:s13], $0x80  }
0x29: {  	[sflag:s13] =	ssyncset.done $0x0  }
0x2a: {  	[sflag:s13] =	ssyncadd.s32 $0xFFFFFF80  }
0x2b: {  	[tilespmem:s15], [sflag:$0x1] =	stream.indirect.gather [hbm4b:s4+s14], $0x80, s6, s14, $0xb8;
	[tilespmem:$0xA00] =	vst v63  }
0x2c: {  	_ = 	snop  }
0x2d: {  	[tilespmem:s17], [sflag:$0x1] =	stream.indirect.gather [hbm4b:s5+s16], $0x80, s12, s16, $0xb8;
	[tilespmem:$0xA00] =	vst v63  }
0x2e: {  	_ =	swait.ge [sflag:s16], $0x800  }
0x2f: {  	[sflag:s16] =	ssyncset.done $0x0  }
0x30: {  	[sflag:s16] =	ssyncadd.s32 $0xFFFFF800  }
0x31: {  	_ =	swait.ge [sflag:s16], $0x80  }
0x32: {  	[sflag:s16] =	ssyncset.done $0x0  }
0x33: {  	[sflag:s16] =	ssyncadd.s32 $0xFFFFFF80  }
0x34: {  	v7 =	vld [tilespmem:$0x900]  }
0x35: {  	v8 =	vld [tilespmem:$0x910]  }
0x36: {  	v6 =	vld [tilespmem:$0x920]  }
0x37: {  	v5 =	vld [tilespmem:$0x930]  }
0x38: {  	v4 =	vld [tilespmem:$0x940]  }
0x39: {  	v3 =	vld [tilespmem:$0x950]  }
0x3a: {  	v9 =	vld [tilespmem:$0x100]  }
0x3b: {  	v11 =	vld [tilespmem:$0x110]  }
0x3c: {  	v12 =	vld [tilespmem:$0x120]  }
0x3d: {  	v14 =	vld [tilespmem:$0x130]  }
0x3e: {  	v39 =	vld [tilespmem:$0x140];
	v1 =	vmul.f32 v7, v7;
	v2 =	vmul.f32 v8, v8  }
0x3f: {  	v18 =	vld [tilespmem:$0x150];
	v10 =	vmul.f32 v5, v5;
	v38 =	vmul.f32 v4, v4  }
0x40: {  	v42 =	vld [tilespmem:$0x160];
	v13 =	vmul.f32 v3, v3;
	v15 =	vmul.f32 v9, v7  }
0x41: {  	v44 =	vld [tilespmem:$0x180];
	v16 =	vmul.f32 v11, v8;
	v9 =	vmul.f32 v9, v9  }
0x42: {  	v20 =	vld [tilespmem:$0x190];
	v11 =	vmul.f32 v11, v11;
	v40 =	vmul.f32 v12, v6  }
0x43: {  	v48 =	vld [tilespmem:$0x1A0];
	v41 =	vmul.f32 v12, v12;
	v43 =	vmul.f32 v14, v5  }
0x44: {  	v54 =	vld [tilespmem:$0x1B0];
	v14 =	vmul.f32 v14, v14;
	v45 =	vmul.f32 v39, v4  }
0x45: {  	v52 =	vld [tilespmem:$0x170];
	v47 =	vmul.f32 v39, v39;
	v50 =	vmul.f32 v18, v3  }
0x46: {  	v58 =	vld [tilespmem:$0x1C0];
	v51 =	vmul.f32 v18, v18;
	v12 =	vmul.f32 v42, v42  }
0x47: {  	v61 =	vld [tilespmem:$0x1D0];
	v55 =	vmul.f32 v44, v7;
	v21 =	vmul.f32 v20, v8  }
0x48: {  	v22 =	vld [tilespmem:$0x200];
	v56 =	vmul.f32 v44, v44;
	v57 =	vmul.f32 v20, v20  }
0x49: {  	v27 =	vld [tilespmem:$0x210];
	v60 =	vmul.f32 v48, v6;
	v25 =	vmul.f32 v54, v5  }
0x4a: {  	v63 =	vld [tilespmem:$0x1E0];
	v18 =	vmul.f32 v52, v52;
	v26 =	vmul.f32 v54, v54  }
0x4b: {  	v33 =	vld [tilespmem:$0x1F0];
	v28 =	vmul.f32 v58, v4;
	v1 =	vadd.f32 v2, v1;
	v2 =	vmul.f32 v6, v6  }
0x4c: {  	v30 =	vld [tilespmem:$0x220];
	v29 =	vmul.f32 v58, v58;
	v31 =	vmul.f32 v61, v3;
	v15 =	vadd.f32 v16, v15  }
0x4d: {  	v35 =	vld [tilespmem:$0x230];
	v32 =	vmul.f32 v61, v61;
	v36 =	vmul.f32 v22, v7;
	v1 =	vadd.f32 v2, v1  }
0x4e: {  	v23 =	vmul.f32 v27, v8;
	v9 =	vadd.f32 v11, v9;
	v2 =	vld [tilespmem:$0x960];
	v15 =	vadd.f32 v40, v15  }
0x4f: {  	v37 =	vmul.f32 v22, v22;
	v59 =	vadd.f32 v21, v55;
	v1 =	vadd.f32 v10, v1  }
0x50: {  	v20 =	vmul.f32 v33, v33;
	v11 =	vadd.f32 v41, v9;
	v15 =	vadd.f32 v43, v15;
	v43 =	vld [tilespmem:$0x260]  }
0x51: {  	v16 =	vmul.f32 v63, v63;
	v40 =	vmul.f32 v30, v6;
	v10 =	vadd.f32 v38, v1;
	v1 =	vld [tilespmem:$0x970]  }
0x52: {  	v46 =	vadd.f32 v14, v11;
	v49 =	vadd.f32 v45, v15;
	v38 =	vld [tilespmem:$0x240];
	v45 =	vmul.f32 v35, v5  }
0x53: {  	v41 =	vld [tilespmem:$0x250];
	v17 =	vmul.f32 v2, v2;
	v53 =	vmul.f32 v42, v2;
	v10 =	vadd.f32 v13, v10  }
0x54: {  	v58 =	vld [tilespmem:$0x2C0];
	v34 =	vmul.f32 v63, v2;
	v14 =	vadd.f32 v50, v49;
	v13 =	vmul.f32 v48, v48  }
0x55: {  	v54 =	vmul.f32 v43, v2;
	v10 =	vadd.f32 v17, v10;
	v17 =	vmul.f32 v30, v30  }
0x56: {  	v62 =	vadd.f32 v57, v56;
	v50 =	vld [tilespmem:$0x2A0];
	v19 =	vmul.f32 v1, v1;
	v24 =	vmul.f32 v52, v1  }
0x57: {  	v11 =	vadd.f32 v53, v14;
	v44 =	vmul.f32 v33, v1;
	v48 =	vmul.f32 v38, v4  }
0x58: {  	v14 =	vadd.f32 v60, v59;
	v53 =	vld [tilespmem:$0x270];
	v49 =	vmul.f32 v38, v38;
	v52 =	vmul.f32 v41, v41  }
0x59: {  	v60 =	vld [tilespmem:$0x2D0];
	v33 =	vmul.f32 v58, v58;
	v9 =	vadd.f32 v19, v10;
	v10 =	vadd.f32 v47, v46  }
0x5a: {  	v30 =	vld [tilespmem:$0x310];
	v14 =	vadd.f32 v25, v14;
	v11 =	vadd.f32 v24, v11;
	v19 =	vmul.f32 v27, v27  }
0x5b: {  	v24 =	vld [tilespmem:$0x280];
	v46 =	vmul.f32 v35, v35;
	v59 =	vmul.f32 v50, v6;
	v10 =	vadd.f32 v51, v10  }
0x5c: {  	v47 =	vld [tilespmem:$0x290];
	v42 =	vadd.f32 v19, v37;
	v51 =	vmul.f32 v41, v3;
	v19 =	vmul.f32 v50, v50  }
0x5d: {  	v14 =	vadd.f32 v28, v14;
	v63 =	vmul.f32 v53, v1;
	v22 =	vmul.f32 v53, v53  }
0x5e: {  	v39 =	vadd.f32 v23, v36;
	v27 =	vld [tilespmem:$0x300];
	v35 =	vmul.f32 v60, v3;
	v36 =	vmul.f32 v60, v60  }
0x5f: {  	v55 =	vld [tilespmem:$0x2B0];
	v41 =	vmul.f32 v30, v8;
	v23 =	vmul.f32 v30, v30;
	v14 =	vadd.f32 v31, v14  }
0x60: {  	v37 =	vld [tilespmem:$0x2F0];
	v31 =	vmul.f32 v58, v4;
	v10 =	vadd.f32 v12, v10;
	v12 =	vadd.f32 v13, v62  }
0x61: {  	v62 =	vld [tilespmem:$0x2E0];
	v13 =	vadd.f32 v34, v14;
	v56 =	vmul.f32 v24, v7;
	v25 =	vmul.f32 v47, v8  }
0x62: {  	v14 =	vadd.f32 v40, v39;
	v57 =	vmul.f32 v24, v24;
	v21 =	vmul.f32 v47, v47;
	v34 =	vld [tilespmem:$0x320]  }
0x63: {  	v39 =	vld [tilespmem:$0x330];
	v40 =	vmul.f32 v27, v7;
	v10 =	vadd.f32 v18, v10;
	v12 =	vadd.f32 v26, v12  }
0x64: {  	v18 =	vmul.f32 v43, v43;
	v13 =	vadd.f32 v44, v13;
	v14 =	vadd.f32 v45, v14  }
0x65: {  	v26 =	vmul.f32 v55, v5;
	v43 =	vld [tilespmem:$0x340];
	v15 =	vadd.f32 v25, v56;
	v12 =	vadd.f32 v29, v12  }
0x66: {  	v60 =	vld [tilespmem:$0x3B0];
	v61 =	vadd.f32 v21, v57;
	v24 =	vmul.f32 v37, v37;
	v29 =	vmul.f32 v55, v55  }
0x67: {  	v14 =	vadd.f32 v48, v14;
	v38 =	vmul.f32 v62, v2;
	v12 =	vadd.f32 v32, v12  }
0x68: {  	v28 =	vld [tilespmem:$0x380];
	v44 =	vadd.f32 v41, v40;
	v45 =	vmul.f32 v34, v6;
	v50 =	vmul.f32 v39, v5  }
0x69: {  	v48 =	vld [tilespmem:$0x360];
	v14 =	vadd.f32 v51, v14;
	v51 =	vmul.f32 v39, v39;
	v12 =	vadd.f32 v16, v12  }
0x6a: {  	v55 =	vld [tilespmem:$0x3A0];
	v53 =	vmul.f32 v43, v4;
	v16 =	vadd.f32 v17, v42;
	v17 =	vadd.f32 v59, v15  }
0x6b: {  	v58 =	vld [tilespmem:$0x370];
	v42 =	vmul.f32 v27, v27;
	v27 =	vmul.f32 v60, v60;
	v14 =	vadd.f32 v54, v14  }
0x6c: {  	v54 =	vmul.f32 v43, v43;
	v12 =	vadd.f32 v20, v12;
	v16 =	vadd.f32 v46, v16;
	v46 =	vld [tilespmem:$0x350]  }
0x6d: {  	v17 =	vadd.f32 v26, v17;
	v20 =	vmul.f32 v62, v62;
	v47 =	vadd.f32 v23, v42  }
0x6e: {  	v59 =	vmul.f32 v48, v2;
	v62 =	vmul.f32 v28, v28;
	v16 =	vadd.f32 v49, v16  }
0x6f: {  	v23 =	vmul.f32 v55, v55;
	v15 =	vadd.f32 v63, v14;
	v63 =	vld [tilespmem:$0x3C0];
	v17 =	vadd.f32 v31, v17  }
0x70: {  	v30 =	vld [tilespmem:$0x400];
	v26 =	vmul.f32 v58, v58;
	v49 =	vmul.f32 v37, v1;
	v16 =	vadd.f32 v52, v16  }
0x71: {  	v37 =	vmul.f32 v58, v1;
	v31 =	vld [tilespmem:$0x410];
	v17 =	vadd.f32 v35, v17;
	v56 =	vmul.f32 v46, v3  }
0x72: {  	v52 =	vld [tilespmem:$0x390];
	v57 =	vmul.f32 v46, v46;
	v16 =	vadd.f32 v18, v16;
	v18 =	vadd.f32 v19, v61  }
0x73: {  	v17 =	vadd.f32 v38, v17;
	v19 =	vmul.f32 v34, v34;
	v61 =	vmul.f32 v28, v7  }
0x74: {  	v38 =	vmul.f32 v60, v5;
	v39 =	vmul.f32 v63, v4;
	v14 =	vadd.f32 v22, v16  }
0x75: {  	v41 =	vmul.f32 v63, v63;
	v32 =	vadd.f32 v29, v18;
	v18 =	vadd.f32 v45, v44  }
0x76: {  	v34 =	vld [tilespmem:$0x3D0];
	v19 =	vadd.f32 v19, v47;
	v22 =	vmul.f32 v48, v48;
	v48 =	vmul.f32 v30, v7  }
0x77: {  	v42 =	vld [tilespmem:$0x420];
	v17 =	vadd.f32 v49, v17;
	v49 =	vmul.f32 v31, v8;
	v29 =	vmul.f32 v52, v8  }
0x78: {  	v25 =	vmul.f32 v52, v52;
	v16 =	vadd.f32 v33, v32;
	v18 =	vadd.f32 v50, v18  }
0x79: {  	v47 =	vld [tilespmem:$0x430];
	v19 =	vadd.f32 v51, v19;
	v33 =	vmul.f32 v55, v6;
	v50 =	vmul.f32 v30, v30  }
0x7a: {  	v45 =	vld [tilespmem:$0x3F0];
	v51 =	vmul.f32 v31, v31;
	v21 =	vadd.f32 v49, v48;
	v32 =	vadd.f32 v29, v61  }
0x7b: {  	v52 =	vld [tilespmem:$0x440];
	v35 =	vadd.f32 v25, v62;
	v43 =	vmul.f32 v34, v3;
	v44 =	vmul.f32 v34, v34  }
0x7c: {  	v25 =	vmul.f32 v42, v42;
	v16 =	vadd.f32 v36, v16;
	v18 =	vadd.f32 v53, v18  }
0x7d: {  	v19 =	vadd.f32 v54, v19;
	v53 =	vmul.f32 v42, v6;
	v55 =	vadd.f32 v51, v50  }
0x7e: {  	v63 =	vld [tilespmem:$0x4A0];
	v23 =	vadd.f32 v23, v35;
	v58 =	vmul.f32 v47, v47;
	v16 =	vadd.f32 v20, v16  }
0x7f: {  	v36 =	vld [tilespmem:$0x3E0];
	v18 =	vadd.f32 v56, v18;
	v19 =	vadd.f32 v57, v19;
	v57 =	vmul.f32 v45, v1  }
0x80: {  	v54 =	vld [tilespmem:$0x450];
	v20 =	vadd.f32 v33, v32;
	v32 =	vmul.f32 v47, v5;
	v60 =	vmul.f32 v52, v4  }
0x81: {  	v56 =	vld [tilespmem:$0x460];
	v62 =	vmul.f32 v52, v52;
	v40 =	vadd.f32 v27, v23;
	v23 =	vadd.f32 v53, v21  }
0x82: {  	v33 =	vld [tilespmem:$0x480];
	v27 =	vmul.f32 v45, v45;
	v16 =	vadd.f32 v24, v16;
	v18 =	vadd.f32 v59, v18  }
0x83: {  	v52 =	vld [tilespmem:$0x510];
	v45 =	vmul.f32 v63, v6;
	v22 =	vadd.f32 v22, v19;
	v20 =	vadd.f32 v38, v20  }
0x84: {  	v46 =	vmul.f32 v36, v2;
	v24 =	vmul.f32 v36, v36;
	v23 =	vadd.f32 v32, v23  }
0x85: {  	v59 =	vld [tilespmem:$0x490];
	v36 =	vmul.f32 v54, v3;
	v29 =	vmul.f32 v54, v54;
	v19 =	vadd.f32 v37, v18  }
0x86: {  	v48 =	vld [tilespmem:$0x4E0];
	v18 =	vadd.f32 v26, v22;
	v20 =	vadd.f32 v39, v20;
	v38 =	vmul.f32 v56, v2  }
0x87: {  	v22 =	vadd.f32 v41, v40;
	v37 =	vld [tilespmem:$0x470];
	v26 =	vmul.f32 v56, v56;
	v40 =	vmul.f32 v33, v7  }
0x88: {  	v39 =	vld [tilespmem:$0x4B0];
	v23 =	vadd.f32 v60, v23;
	v42 =	vmul.f32 v33, v33;
	v35 =	vmul.f32 v52, v8  }
0x89: {  	v31 =	vmul.f32 v52, v52;
	v20 =	vadd.f32 v43, v20;
	v22 =	vadd.f32 v44, v22  }
0x8a: {  	v34 =	vld [tilespmem:$0x500];
	v23 =	vadd.f32 v36, v23;
	v41 =	vmul.f32 v59, v8;
	v28 =	vmul.f32 v59, v59  }
0x8b: {  	v60 =	vld [tilespmem:$0x530];
	v59 =	vmul.f32 v48, v2;
	v20 =	vadd.f32 v46, v20;
	v22 =	vadd.f32 v24, v22  }
0x8c: {  	v43 =	vld [tilespmem:$0x4C0];
	v24 =	vadd.f32 v25, v55;
	v25 =	vmul.f32 v63, v63;
	v23 =	vadd.f32 v38, v23  }
0x8d: {  	v46 =	vld [tilespmem:$0x4D0];
	v44 =	vadd.f32 v41, v40;
	v49 =	vmul.f32 v37, v1;
	v50 =	vmul.f32 v39, v5  }
0x8e: {  	v55 =	vld [tilespmem:$0x520];
	v47 =	vadd.f32 v28, v42;
	v30 =	vmul.f32 v37, v37;
	v51 =	vmul.f32 v39, v39  }
0x8f: {  	v63 =	vld [tilespmem:$0x540];
	v28 =	vmul.f32 v48, v48;
	v21 =	vadd.f32 v57, v20;
	v20 =	vadd.f32 v27, v22  }
0x90: {  	v40 =	vld [tilespmem:$0x550];
	v61 =	vadd.f32 v58, v24;
	v33 =	vmul.f32 v60, v60;
	v24 =	vadd.f32 v45, v44  }
0x91: {  	v42 =	vld [tilespmem:$0x560];
	v25 =	vadd.f32 v25, v47;
	v53 =	vmul.f32 v43, v4;
	v54 =	vmul.f32 v43, v43  }
0x92: {  	v37 =	vld [tilespmem:$0x590];
	v44 =	vmul.f32 v60, v5;
	v22 =	vadd.f32 v62, v61;
	v61 =	vmul.f32 v34, v7  }
0x93: {  	v48 =	vld [tilespmem:$0x5A0];
	v23 =	vadd.f32 v49, v23;
	v62 =	vmul.f32 v34, v34;
	v56 =	vmul.f32 v46, v3  }
0x94: {  	v58 =	vld [tilespmem:$0x4F0];
	v24 =	vadd.f32 v50, v24;
	v57 =	vmul.f32 v46, v46;
	v39 =	vmul.f32 v55, v6  }
0x95: {  	v36 =	vld [tilespmem:$0x580];
	v25 =	vadd.f32 v51, v25;
	v45 =	vmul.f32 v63, v4;
	v47 =	vmul.f32 v63, v63  }
0x96: {  	v60 =	vld [tilespmem:$0x5D0];
	v22 =	vadd.f32 v29, v22;
	v29 =	vmul.f32 v55, v55;
	v49 =	vmul.f32 v40, v3  }
0x97: {  	v38 =	vadd.f32 v35, v61;
	v50 =	vmul.f32 v40, v40;
	v52 =	vmul.f32 v42, v2  }
0x98: {  	v41 =	vadd.f32 v31, v62;
	v55 =	vmul.f32 v37, v8;
	v31 =	vmul.f32 v48, v48  }
0x99: {  	v24 =	vadd.f32 v53, v24;
	v25 =	vadd.f32 v54, v25;
	v43 =	vmul.f32 v58, v1  }
0x9a: {  	v51 =	vld [tilespmem:$0x570];
	v32 =	vmul.f32 v58, v58;
	v54 =	vmul.f32 v36, v7;
	v22 =	vadd.f32 v26, v22  }
0x9b: {  	v26 =	vadd.f32 v39, v38;
	v29 =	vadd.f32 v29, v41;
	v35 =	vmul.f32 v60, v60  }
0x9c: {  	v53 =	vld [tilespmem:$0x5B0];
	v24 =	vadd.f32 v56, v24;
	v25 =	vadd.f32 v57, v25;
	v56 =	vmul.f32 v36, v36  }
0x9d: {  	v58 =	vld [tilespmem:$0x5C0];
	v57 =	vmul.f32 v37, v37;
	v27 =	vadd.f32 v55, v54;
	v22 =	vadd.f32 v30, v22  }
0x9e: {  	v62 =	vld [tilespmem:$0x5E0];
	v26 =	vadd.f32 v44, v26;
	v46 =	vadd.f32 v33, v29;
	v30 =	vmul.f32 v42, v42  }
0x9f: {  	v39 =	vld [tilespmem:$0x600];
	v63 =	vmul.f32 v51, v1;
	v33 =	vmul.f32 v51, v51;
	v24 =	vadd.f32 v59, v24  }
0xa0: {  	v28 =	vadd.f32 v28, v25;
	v59 =	vmul.f32 v48, v6;
	v61 =	vadd.f32 v57, v56  }
0xa1: {  	v42 =	vld [tilespmem:$0x610];
	v26 =	vadd.f32 v45, v26;
	v38 =	vmul.f32 v53, v5;
	v41 =	vmul.f32 v53, v53  }
0xa2: {  	v48 =	vld [tilespmem:$0x5F0];
	v45 =	vmul.f32 v58, v58;
	v25 =	vadd.f32 v43, v24;
	v24 =	vadd.f32 v32, v28  }
0xa3: {  	v40 =	vld [tilespmem:$0x680];
	v28 =	vadd.f32 v47, v46;
	v43 =	vmul.f32 v58, v4;
	v47 =	vmul.f32 v60, v3  }
0xa4: {  	v57 =	vld [tilespmem:$0x650];
	v29 =	vadd.f32 v59, v27;
	v32 =	vmul.f32 v62, v62;
	v51 =	vmul.f32 v39, v7  }
0xa5: {  	v46 =	vld [tilespmem:$0x620];
	v53 =	vmul.f32 v39, v39;
	v26 =	vadd.f32 v49, v26;
	v49 =	vmul.f32 v62, v2  }
0xa6: {  	v59 =	vld [tilespmem:$0x660];
	v28 =	vadd.f32 v50, v28;
	v29 =	vadd.f32 v38, v29;
	v34 =	vmul.f32 v42, v42  }
0xa7: {  	v26 =	vadd.f32 v52, v26;
	v52 =	vmul.f32 v42, v8;
	v60 =	vmul.f32 v48, v1  }
0xa8: {  	v36 =	vmul.f32 v48, v48;
	v28 =	vadd.f32 v30, v28;
	v30 =	vadd.f32 v31, v61  }
0xa9: {  	v50 =	vld [tilespmem:$0x630];
	v48 =	vmul.f32 v57, v57;
	v29 =	vadd.f32 v43, v29;
	v58 =	vadd.f32 v34, v53  }
0xaa: {  	v53 =	vmul.f32 v40, v40;
	v27 =	vadd.f32 v63, v26;
	v56 =	vmul.f32 v46, v6  }
0xab: {  	v54 =	vld [tilespmem:$0x640];
	v55 =	vadd.f32 v52, v51;
	v31 =	vmul.f32 v46, v46;
	v34 =	vmul.f32 v59, v59  }
0xac: {  	v63 =	vld [tilespmem:$0x690];
	v52 =	vmul.f32 v40, v7;
	v26 =	vadd.f32 v33, v28;
	v44 =	vadd.f32 v41, v30  }
0xad: {  	v46 =	vld [tilespmem:$0x6A0];
	v29 =	vadd.f32 v47, v29;
	v47 =	vmul.f32 v57, v3;
	v30 =	vadd.f32 v56, v55  }
0xae: {  	v51 =	vld [tilespmem:$0x6B0];
	v61 =	vmul.f32 v50, v5;
	v31 =	vadd.f32 v31, v58;
	v62 =	vmul.f32 v50, v50  }
0xaf: {  	v42 =	vld [tilespmem:$0x700];
	v50 =	vmul.f32 v59, v2;
	v28 =	vadd.f32 v45, v44;
	v29 =	vadd.f32 v49, v29  }
0xb0: {  	v57 =	vld [tilespmem:$0x6D0];
	v44 =	vmul.f32 v54, v4;
	v45 =	vmul.f32 v54, v54;
	v30 =	vadd.f32 v61, v30  }
0xb1: {  	v43 =	vld [tilespmem:$0x710];
	v31 =	vadd.f32 v62, v31;
	v41 =	vmul.f32 v63, v8;
	v37 =	vmul.f32 v63, v63  }
0xb2: {  	v49 =	vld [tilespmem:$0x670];
	v28 =	vadd.f32 v35, v28;
	v56 =	vmul.f32 v46, v6;
	v35 =	vmul.f32 v46, v46  }
0xb3: {  	v54 =	vld [tilespmem:$0x6C0];
	v29 =	vadd.f32 v60, v29;
	v61 =	vmul.f32 v51, v5;
	v39 =	vmul.f32 v51, v51  }
0xb4: {  	v51 =	vmul.f32 v42, v7;
	v30 =	vadd.f32 v44, v30;
	v31 =	vadd.f32 v45, v31  }
0xb5: {  	v46 =	vmul.f32 v57, v3;
	v28 =	vadd.f32 v32, v28;
	v55 =	vadd.f32 v41, v52  }
0xb6: {  	v59 =	vld [tilespmem:$0x6E0];
	v58 =	vadd.f32 v37, v53;
	v52 =	vmul.f32 v43, v8;
	v53 =	vmul.f32 v42, v42  }
0xb7: {  	v30 =	vadd.f32 v47, v30;
	v60 =	vmul.f32 v49, v1;
	v38 =	vmul.f32 v49, v49  }
0xb8: {  	v45 =	vld [tilespmem:$0x720];
	v31 =	vadd.f32 v48, v31;
	v62 =	vmul.f32 v54, v4;
	v44 =	vmul.f32 v54, v54  }
0xb9: {  	v47 =	vmul.f32 v57, v57;
	v48 =	vld [tilespmem:$0x6F0];
	v28 =	vadd.f32 v36, v28;
	v32 =	vadd.f32 v56, v55  }
0xba: {  	v54 =	vmul.f32 v43, v43;
	v57 =	vld [tilespmem:$0x750];
	v35 =	vadd.f32 v35, v58;
	v33 =	vadd.f32 v52, v51  }
0xbb: {  	v49 =	vmul.f32 v59, v2;
	v55 =	vld [tilespmem:$0x740];
	v30 =	vadd.f32 v50, v30;
	v34 =	vadd.f32 v34, v31  }
0xbc: {  	v36 =	vmul.f32 v59, v59;
	v59 =	vld [tilespmem:$0x760];
	v58 =	vadd.f32 v54, v53;
	v32 =	vadd.f32 v61, v32  }
0xbd: {  	v50 =	vld [tilespmem:$0x730];
	v63 =	vadd.f32 v39, v35;
	v56 =	vmul.f32 v45, v6;
	v31 =	vadd.f32 v60, v30  }
0xbe: {  	v37 =	vmul.f32 v45, v45;
	v30 =	vadd.f32 v38, v34;
	v32 =	vadd.f32 v62, v32  }
0xbf: {  	v45 =	vld [tilespmem:$0x780];
	v34 =	vadd.f32 v44, v63;
	v60 =	vmul.f32 v48, v1;
	v39 =	vmul.f32 v48, v48  }
0xc0: {  	v35 =	vadd.f32 v56, v33;
	v41 =	vmul.f32 v57, v57;
	v63 =	vmul.f32 v55, v4  }
0xc1: {  	v62 =	vld [tilespmem:$0x790];
	v51 =	vmul.f32 v59, v2;
	v38 =	vmul.f32 v59, v59;
	v34 =	vadd.f32 v47, v34  }
0xc2: {  	v48 =	vld [tilespmem:$0x7A0];
	v32 =	vadd.f32 v46, v32;
	v44 =	vmul.f32 v50, v5;
	v61 =	vmul.f32 v50, v50  }
0xc3: {  	v47 =	vmul.f32 v55, v55;
	v34 =	vadd.f32 v36, v34;
	v36 =	vadd.f32 v37, v58  }
0xc4: {  	v50 =	vld [tilespmem:$0x770];
	v53 =	vmul.f32 v45, v7;
	v55 =	vmul.f32 v45, v45;
	v32 =	vadd.f32 v49, v32  }
0xc5: {  	v56 =	vld [tilespmem:$0x7C0];
	v35 =	vadd.f32 v44, v35;
	v49 =	vmul.f32 v57, v3;
	v46 =	vadd.f32 v61, v36  }
0xc6: {  	v52 =	vld [tilespmem:$0x7B0];
	v54 =	vmul.f32 v62, v8;
	v40 =	vmul.f32 v62, v62;
	v33 =	vadd.f32 v60, v32  }
0xc7: {  	v58 =	vmul.f32 v48, v6;
	v32 =	vadd.f32 v39, v34;
	v34 =	vadd.f32 v47, v46  }
0xc8: {  	v59 =	vld [tilespmem:$0x7D0];
	v37 =	vmul.f32 v48, v48;
	v35 =	vadd.f32 v63, v35;
	v57 =	vadd.f32 v54, v53  }
0xc9: {  	v62 =	vld [tilespmem:$0x7E0];
	v61 =	vadd.f32 v40, v55;
	v63 =	vmul.f32 v50, v1;
	v34 =	vadd.f32 v41, v34  }
0xca: {  	(xrf2) =	vadd.scan.msk.f32 $0xffff, v9;
	v48 =	vmul.f32 v50, v50;
	v50 =	vld [tilespmem:$0x810];
	v54 =	vmul.f32 v56, v56;
	v35 =	vadd.f32 v49, v35  }
0xcb: {  	(xrf2) =	vadd.scan.msk.f32 $0xffff, v11;
	v55 =	vld [tilespmem:$0x820];
	v49 =	vmul.f32 v52, v52;
	v60 =	vadd.f32 v38, v34;
	v34 =	vadd.f32 v37, v61  }
0xcc: {  	(xrf2) =	vadd.scan.msk.f32 $0xffff, v10;
	v46 =	vmul.f32 v52, v5;
	v47 =	vld [tilespmem:$0x800];
	v52 =	vmul.f32 v56, v4;
	v36 =	vadd.f32 v58, v57  }
0xcd: {  	(xrf2) =	vadd.scan.msk.f32 $0xffff, v13;
	v56 =	vmul.f32 v59, v3;
	v35 =	vadd.f32 v51, v35;
	v53 =	vadd.f32 v49, v34  }
0xce: {  	(xrf2) =	vadd.scan.msk.f32 $0xffff, v12;
	v57 =	vmul.f32 v59, v59;
	v58 =	vld [tilespmem:$0x7F0];
	v59 =	vmul.f32 v62, v2;
	v51 =	vadd.f32 v46, v36  }
0xcf: {  	(xrf2) =	vadd.scan.msk.f32 $0xffff, v15;
	v44 =	vld [tilespmem:$0x840];
	v13 =	vadd.f32 v63, v35;
	v63 =	vmul.f32 v50, v8;
	v9 =	vadd.f32 v54, v53  }
0xd0: {  	(xrf2) =	vadd.scan.msk.f32 $0xffff, v14;
	v61 =	vld [tilespmem:$0x830];
	v43 =	vmul.f32 v50, v50;
	v46 =	vmul.f32 v55, v6  }
0xd1: {  	(xrf2) =	vadd.scan.msk.f32 $0xffff, v17;
	v37 =	vld [tilespmem:$0x870];
	v11 =	vadd.f32 v52, v51;
	v42 =	vmul.f32 v47, v47;
	v9 =	vadd.f32 v57, v9  }
0xd2: {  	(xrf2) =	vadd.scan.msk.f32 $0xffff, v16;
	v52 =	vld [tilespmem:$0x890];
	v36 =	vadd.f32 v48, v60;
	v60 =	vmul.f32 v62, v62;
	v62 =	vmul.f32 v47, v7  }
0xd3: {  	(xrf2) =	vadd.scan.msk.f32 $0xffff, v19;
	v47 =	vld [tilespmem:$0x850];
	v48 =	vmul.f32 v55, v55;
	v50 =	vmul.f32 v58, v1;
	v11 =	vadd.f32 v56, v11  }
0xd4: {  	v12, _, _ =	vpop (xrf2);
	(xrf2) =	vadd.scan.msk.f32 $0xffff, v18;
	v49 =	vld [tilespmem:$0x880];
	v55 =	vmul.f32 v44, v4;
	v15 =	vadd.f32 v43, v42;
	v45 =	vadd.f32 v63, v62  }
0xd5: {  	v53 =	vmul.f32 v58, v58;
	v11 =	vadd.f32 v59, v11;
	v14 =	vadd.f32 v60, v9;
	v9, _, _ =	vpop (xrf2);
	(xrf2) =	vadd.scan.msk.f32 $0xffff, v21  }
0xd6: {  	v56 =	vld [tilespmem:$0x8A0];
	v51 =	vmul.f32 v61, v5;
	v15 =	vadd.f32 v48, v15;
	v54 =	vmul.f32 v61, v61;
	v40, _, _ =	vpop (xrf2);
	(xrf2) =	vadd.scan.msk.f32 $0xffff, v20  }
0xd7: {  	v42 =	vld [tilespmem:$0x8D0];
	v48 =	vmul.f32 v37, v1;
	v17 =	vadd.f32 v46, v45;
	v57 =	vmul.f32 v44, v44;
	v10, _, _ =	vpop (xrf2);
	(xrf2) =	vadd.scan.msk.f32 $0xffff, v23  }
0xd8: {  	v8 =	vmul.f32 v52, v8;
	v62 =	vmul.f32 v52, v52;
	v15 =	vadd.f32 v54, v15;
	v60 =	vld [tilespmem:$0x8B0];
	v35, _, _ =	vpop (xrf2);
	(xrf2) =	vadd.scan.msk.f32 $0xffff, v22  }
0xd9: {  	v63 =	vld [tilespmem:$0x8C0];
	v59 =	vmul.f32 v47, v3;
	v61 =	vmul.f32 v49, v7;
	v21 =	vadd.f32 v50, v11;
	v11, _, _ =	vpop (xrf2);
	(xrf2) =	vadd.scan.msk.f32 $0xffff, v25  }
0xda: {  	v19 =	vmul.f32 v47, v47;
	v18 =	vmul.f32 v49, v49;
	v17 =	vadd.f32 v51, v17;
	v25, _, _ =	vpop (xrf2);
	(xrf2) =	vadd.scan.msk.f32 $0xffff, v24  }
0xdb: {  	v58 =	vld [tilespmem:$0x860];
	v38 =	vmul.f32 v56, v6;
	v41 =	vmul.f32 v56, v56;
	v8 =	vadd.f32 v8, v61;
	v7, _, _ =	vpop (xrf2);
	(xrf2) =	vadd.scan.msk.f32 $0xffff, v27  }
0xdc: {  	v3 =	vmul.f32 v42, v3;
	v54 =	vmul.f32 v42, v42;
	v15 =	vadd.f32 v57, v15;
	v27, _, _ =	vpop (xrf2);
	(xrf2) =	vadd.scan.msk.f32 $0xffff, v26  }
0xdd: {  	v18 =	vadd.f32 v62, v18;
	v8 =	vadd.f32 v38, v8;
	v44 =	vmul.f32 v60, v5;
	v6, _, _ =	vpop (xrf2);
	(xrf2) =	vadd.scan.msk.f32 $0xffff, v29  }
0xde: {  	v46 =	vld [tilespmem:$0x8E0];
	v4 =	vmul.f32 v63, v4;
	v14 =	vadd.f32 v53, v14;
	v17 =	vadd.f32 v55, v17;
	v43, _, _ =	vpop (xrf2);
	(xrf2) =	vadd.scan.msk.f32 $0xffff, v28  }
0xdf: {  	v18 =	vadd.f32 v41, v18;
	v45 =	vmul.f32 v60, v60;
	v8 =	vadd.f32 v44, v8;
	v5, _, _ =	vpop (xrf2);
	(xrf2) =	vadd.scan.msk.f32 $0xffff, v31  }
0xe0: {  	v39 =	vmul.f32 v58, v2;
	v15 =	vadd.f32 v19, v15;
	v17 =	vadd.f32 v59, v17;
	v47, _, _ =	vpop (xrf2);
	(xrf2) =	vadd.scan.msk.f32 $0xffff, v30  }
0xe1: {  	v49 =	vmul.f32 v63, v63;
	v50 =	vld [tilespmem:$0x8F0];
	v18 =	vadd.f32 v45, v18;
	v4 =	vadd.f32 v4, v8;
	v16, _, _ =	vpop (xrf2);
	(xrf2) =	vadd.scan.msk.f32 $0xffff, v33  }
0xe2: {  	v20 =	vmul.f32 v58, v58;
	v19 =	vmul.f32 v37, v37;
	v17 =	vadd.f32 v39, v17;
	v51, _, _ =	vpop (xrf2);
	(xrf2) =	vadd.scan.msk.f32 $0xffff, v32  }
0xe3: {  	v2 =	vmul.f32 v46, v2;
	v53 =	vadd.f32 v49, v18;
	v3 =	vadd.f32 v3, v4;
	v8, _, _ =	vpop (xrf2);
	(xrf2) =	vadd.scan.msk.f32 $0xffff, v13  }
0xe4: {  	v57 =	vmul.f32 v46, v46;
	v15 =	vadd.f32 v20, v15;
	v52 =	vadd.f32 v48, v17;
	v55, _, _ =	vpop (xrf2);
	(xrf2) =	vadd.scan.msk.f32 $0xffff, v36  }
0xe5: {  	v56 =	vbroadcast v40, $0xF;
	v17 =	vadd.f32 v54, v53;
	v2 =	vadd.f32 v2, v3;
	v4, _, _ =	vpop (xrf2);
	(xrf2) =	vadd.scan.msk.f32 $0xffff, v21  }
0xe6: {  	v59 =	vbroadcast v35, $0xF;
	v15 =	vadd.f32 v19, v15;
	v1 =	vmul.f32 v50, v1;
	v58, _, _ =	vpop (xrf2);
	(xrf2) =	vadd.scan.msk.f32 $0xffff, v14  }
0xe7: {  	v62 =	vmul.f32 v50, v50;
	v61 =	vbroadcast v25, $0xF;
	v60 =	vadd.f32 v57, v17;
	v3, _, _ =	vpop (xrf2);
	(xrf2) =	vadd.scan.msk.f32 $0xffff, v52  }
0xe8: {  	v24 =	vbroadcast v27, $0xF;
	v1 =	vadd.f32 v1, v2;
	v14 =	vsel vm0, v56, v59;
	v63, _, _ =	vpop (xrf2);
	(xrf2) =	vadd.scan.msk.f32 $0xffff, v15  }
0xe9: {  	v25 =	vbroadcast v43, $0xF;
	v13 =	vadd.f32 v62, v60;
	v14 =	vsel vm1, v14, v61;
	v2, _, _ =	vpop (xrf2)  }
0xea: {  	v27 =	vbroadcast v47, $0xF;
	v14 =	vsel vm2, v14, v24;
	(xrf2) =	vadd.scan.msk.f32 $0xffff, v1;
	v29, _, _ =	vpop (xrf2)  }
0xeb: {  	v30 =	vbroadcast v51, $0xF;
	v1 =	vsel vm3, v14, v25;
	(xrf2) =	vadd.scan.msk.f32 $0xffff, v13;
	v31, _, _ =	vpop (xrf2)  }
0xec: {  	v33 =	vbroadcast v55, $0xF;
	v1 =	vsel vm4, v1, v27;
	v32, _, _ =	vpop (xrf2)  }
0xed: {  	v35 =	vbroadcast v58, $0xF;
	v1 =	vsel vm5, v1, v30;
	v34, _, _ =	vpop (xrf2)  }
0xee: {  	v37 =	vbroadcast v63, $0xF;
	v1 =	vsel vm6, v1, v33;
	v36, _, _ =	vpop (xrf2)  }
0xef: {  	v39 =	vbroadcast v29, $0xF;
	v1 =	vsel vm7, v1, v35;
	v38, _, _ =	vpop (xrf2)  }
0xf0: {  	v13 =	vbroadcast v32, $0xF;
	v1 =	vsel vm8, v1, v37;
	v40, _, _ =	vpop (xrf2)  }
0xf1: {  	v1 =	vsel vm9, v1, v39;
	v42 =	vbroadcast v36, $0xF;
	v41, _, _ =	vpop (xrf2)  }
0xf2: {  	v1 =	vsel vm10, v1, v13;
	v44 =	vbroadcast v40, $0xF;
	v43, _, _ =	vpop (xrf2)  }
0xf3: {  	v1 =	vsel vm11, v1, v42;
	v45 =	vbroadcast v43, $0xF  }
0xf4: {  	v12 =	vmax.f32 v12, $1.000000000e-30;
	v46, _, _ =	vpop (xrf2);
	v1 =	vsel vm12, v1, v44  }
0xf5: {  	v12 =	vbroadcast v12, $0xF;
	v47, _, _ =	vpop (xrf2);
	v1 =	vsel vm13, v1, v45  }
0xf6: {  	v1 =	vsel vm14, v1, v47  }
0xf7: {  	v48 =	vshrl.u32 v12, $0x1;
	v1 =	vmax.f32 v1, $1.000000000e-30  }
0xf8: {  	v49 =	vmul.f32 $5.000000000e-01, v12;
	v51 =	vshrl.u32 v1, $0x1;
	v52 =	vmul.f32 $5.000000000e-01, v1  }
0xf9: {  	v13 =	vsub.s32 $0x5F3759DF, v48;
	v22 =	vsub.s32 $0x5F3759DF, v51  }
0xfa: {  	v50 =	vmul.f32 v13, v49;
	v53 =	vmul.f32 v22, v52;
	_ =	sdelay $0x1  }
0xfb: {  	v21 =	vmul.f32 v13, v50;
	v24 =	vmul.f32 v22, v53;
	_ =	sdelay $0x1  }
0xfc: {  	v21 =	vsub.f32 $1.500000000e+00, v21;
	v54 =	vsub.f32 $1.500000000e+00, v24;
	_ =	sdelay $0x1  }
0xfd: {  	v13 =	vmul.f32 v13, v21;
	v21 =	vmul.f32 v22, v54;
	_ =	sdelay $0x1  }
0xfe: {  	v55 =	vmul.f32 v13, v49;
	v57 =	vmul.f32 v21, v52;
	_ =	sdelay $0x1  }
0xff: {  	v56 =	vmul.f32 v55, v13;
	v24 =	vmul.f32 v57, v21;
	_ =	sdelay $0x1  }
0x100: {  	v22 =	vsub.f32 $1.500000000e+00, v56;
	v58 =	vsub.f32 $1.500000000e+00, v24;
	_ =	sdelay $0x1  }
0x101: {  	v13 =	vmul.f32 v22, v13;
	v21 =	vmul.f32 v58, v21;
	_ =	sdelay $0x1  }
0x102: {  	v14 =	vmul.f32 v13, v49;
	v22 =	vmul.f32 v21, v52;
	_ =	sdelay $0x1  }
0x103: {  	v14 =	vmul.f32 v14, v13;
	v22 =	vmul.f32 v22, v21  }
0x104: {  	v9 =	vbroadcast v9, $0xF  }
0x105: {  	v10 =	vbroadcast v10, $0xF;
	v14 =	vsub.f32 $1.500000000e+00, v14;
	v59 =	vsub.f32 $1.500000000e+00, v22  }
0x106: {  	v11 =	vbroadcast v11, $0xF;
	v7 =	vbroadcast v7, $0xF  }
0x107: {  	v9 =	vsel vm0, v9, v10;
	v13 =	vmul.f32 v14, v13;
	v14 =	vmul.f32 v59, v21  }
0x108: {  	v9 =	vsel vm1, v9, v11;
	v6 =	vbroadcast v6, $0xF  }
0x109: {  	v7 =	vsel vm2, v9, v7;
	v60 =	vmul.f32 v13, v12;
	v1 =	vmul.f32 v14, v1  }
0x10a: {  	v5 =	vbroadcast v5, $0xF;
	v6 =	vsel vm3, v7, v6  }
0x10b: {  	v62 =	vbroadcast v16, $0xF;
	v61 =	vmax.f32 v60, $9.999999930e-09;
	v1 =	vmax.f32 v1, $9.999999930e-09  }
0x10c: {  	v5 =	vsel vm4, v6, v5;
	v63 =	vbroadcast v8, $0xF;
	v1 =	vmul.f32 v1, v61  }
0x10d: {  	v5 =	vsel vm5, v5, v62;
	v4 =	vbroadcast v4, $0xF  }
0x10e: {  	v3 =	vbroadcast v3, $0xF;
	(erf) = vrcp.f32 v1;
	v1 =	vsel vm6, v5, v63  }
0x10f: {  	v2 =	vbroadcast v2, $0xF;
	v1 =	vsel vm7, v1, v4  }
0x110: {  	v1 =	vsel vm8, v1, v3;
	v3 =	vbroadcast v31, $0xF  }
0x111: {  	v1 =	vsel vm9, v1, v2;
	v2 =	vbroadcast v34, $0xF  }
0x112: {  	v1 =	vsel vm10, v1, v3  }
0x113: {  	v3 =	vbroadcast v38, $0xF;
	v1 =	vsel vm11, v1, v2;
	v2 =	vbroadcast v41, $0xF;
	_ =	sdelay $0x1  }
0x114: {  	v1 =	vsel vm12, v1, v3  }
0x115: {  	v1 =	vsel vm13, v1, v2  }
0x116: {  	v1 =	vsel vm14, v1, v46;
	v2 =	vpop (erf)  }
0x117: {  	v1 =	vmul.f32 v2, v1;
	_ =	sdelay $0x1  }
0x118: {  	v1 =	vsub.f32 $0.0e+00, v1;
	_ =	sdelay $0x1  }
0x119: {  	v1 =	vmul.f32 $1.442695020e+00, v1;
	_ =	sdelay $0x1  }
0x11a: {  	(erf) = vpow2.f32 v1;
	_ =	sdelay $0x8  }
0x11b: {  	v1 =	vpop (erf)  }
0x11c: {  	v1 =	vadd.f32 $1.000000000e+00, v1;
	_ =	sdelay $0x1  }
0x11d: {  	(erf) = vrcp.f32 v1;
	_ =	sdelay $0x8  }
0x11e: {  	v1 =	vpop (erf)  }
0x11f: {  	v1 =	vmul.f32 v1, v0;
	_ =	sdelay $0x1  }
0x120: {  	(xrf2) =	vadd.scan.msk.f32 $0xffff, v1;
	_ =	sdelay $0x9  }
0x121: {  	v1, _, _ =	vpop (xrf2)  }
0x122: {  	s11 =	sadd.s32 $0xFFFFFFFF, s11;
	v1 =	vbroadcast v1, $0xF  }
0x123: {  	p4 =	sne.s32 s11, $0x0  }
.Ltmp0:
0x124: {  	[tilespmem:$0x980] =	vst v1;
	(pc) =	sbr.rel @p4 .LBB2_1-.Ltmp0, $4  }
0x125: {  	[hbm4b:s10+s6] =	stream.linear.scatter [tilespmem:s18], [sflag:$0x2], $0x80, $0x38;
	[tilespmem:$0xA00] =	vst v63  }
0x126: {  	_ =	swait.ge [sflag:s13], $0x80  }
0x127: {  	[sflag:s13] =	ssyncset.done $0x0  }
0x128: {  	[sflag:s13] =	ssyncadd.s32 $0xFFFFFF80  }
0x129: {  	_ =	sfence.sel $0x180000  }
0x12a: {  	[bflag:$0x0] =	sbarrier.arrive $0xFFFF  }
0x12b: {  	p0 =	sne.s32 s3, $0x0;
	_ =	strace $0x90000047  }
0x12c: {  	s0 =	sadd.s32 @!p0 $0x100000, s1;
	[bflag:$0x2] =	sbarrier.arrive $0xFFFF  }
0x12d: {  	[sflag:s0] =	ssyncadd.tile.s32 @!p0 $0x1;
	_ =	shalt  }
.Lfunc_end2:
_tile_overlayer_lowered:
.L_overlay_start_2:
0x12e: {  	(tag) =	ssettag $0x2  }
0x12f: {  	s0 =	rddreg [dreg:$0x0];
	s2 =	stileid.u32  }
0x130: {  	s1 =	rddreg [dreg:$0x1];
	p0 =	sne.s32 s2, $0x0  }
0x131: {  	s3 =	rddreg [dreg:$0x2];
	[bflag:$0x3] =	sbarrier.arrive $0xFFFF;
	s2 =	simm.s32 @!p0 $0x1C02  }
0x132: {  	[timem:s3], [sflag:s2] =	dma.local @!p0 [hbm:s0], s1  }
0x133: {  	s0 =	simm.s32 @!p0 $0x2  }
0x134: {  	_ =	swait.ge @!p0 [sflag:s0], s1  }
0x135: {  	s1 =	ssub.s32 @!p0 $0x0, s1;
	[sflag:s0] =	ssyncset.done @!p0 $0x0  }
0x136: {  	[sflag:s0] =	ssyncadd.s32 @!p0 s1  }
0x137: {  	[bflag:$0x3] =	sbarrier.arrive $0xFFFF  }
0x138: {  	_ =	shalt  }

</sc_bundles>
